<compile_context>
chip_gen: v7x
topology: tpu7x:2x2x1
jax: 0.10.2.dev20260603
libtpu: 0.0.44.dev20260713+nightly
codegen_flags: <defaults>
</compile_context>

<pallas_src>
import functools

import jax
import jax.numpy as jnp
from jax import lax
from jax.experimental import pallas as pl
from jax.experimental.pallas import tpu as pltpu
from jax.experimental.pallas import tpu_sc as plsc

V = 100000
D = 64
B = 1024
L = 20

NUM_CORES = 2
NUM_SUBCORES = 16
NW = NUM_CORES * NUM_SUBCORES
DPW = D // NW
LANES = 16
_BGROUPS = B // LANES

_sc_mesh = plsc.VectorSubcoreMesh(core_axis_name="c", subcore_axis_name="s")


_SLAB_CHUNKS = 4
_SLAB_CHUNK = V // _SLAB_CHUNKS


@functools.partial(
    pl.kernel,
    mesh=_sc_mesh,
    out_type=jax.ShapeDtypeStruct((D, B), jnp.float32),
    scratch_types=[
        pltpu.VMEM((L, B), jnp.int32),
        pltpu.VMEM((V,), jnp.float32),
        pltpu.VMEM((B,), jnp.float32),
        pltpu.SemaphoreType.DMA,
    ],
    compiler_params=pltpu.CompilerParams(needs_layout_passes=False),
)
def _pool_sc(idx_hbm, table_hbm, out_hbm, idx_v, slab_v, pool_v, sem):
    wid = lax.axis_index("s") * NUM_CORES + lax.axis_index("c")
    idx_cp = pltpu.async_copy(idx_hbm, idx_v, sem)
    scale = jnp.float32(1.0 / L)
    out_cp = None
    for d_off in range(DPW):
        d_row = wid * DPW + d_off
        slab_cp = pltpu.async_copy(table_hbm.at[d_row], slab_v, sem)
        if d_off == 0:
            idx_cp.wait()
        else:
            out_cp.wait()
        slab_cp.wait()

        @plsc.parallel_loop(0, _BGROUPS, unroll=2)
        def _(g):
            sl = pl.ds(g * LANES, LANES)
            acc = jnp.zeros((LANES,), jnp.float32)
            for l_i in range(L):
                acc = acc + plsc.load_gather(slab_v, [idx_v[l_i, sl]])
            pool_v[sl] = acc * scale
        out_cp = pltpu.async_copy(pool_v, out_hbm.at[d_row], sem)
    out_cp.wait()


VBLK = 4096
_VGRID = pl.cdiv(V, VBLK)


def _decode_body(p_ref, wt_ref, bias_ref, o_ref):
    acc = lax.dot_general(
        wt_ref[...],
        p_ref[...],
        (((0,), (0,)), ((), ())),
        preferred_element_type=jnp.float32,
    )
    ones = jnp.ones((1, B), jnp.float32)
    bias2d = lax.dot_general(
        bias_ref[...],
        ones,
        (((0,), (0,)), ((), ())),
        preferred_element_type=jnp.float32,
    )
    o_ref[...] = acc + bias2d


_decode = pl.pallas_call(
    _decode_body,
    grid=(_VGRID,),
    in_specs=[
        pl.BlockSpec((D, B), lambda i: (0, 0)),
        pl.BlockSpec((D, VBLK), lambda i: (0, i)),
        pl.BlockSpec((1, VBLK), lambda i: (0, i)),
    ],
    out_specs=pl.BlockSpec((VBLK, B), lambda i: (i, 0)),
    out_shape=jax.ShapeDtypeStruct((V, B), jnp.float32),
    compiler_params=pltpu.CompilerParams(vmem_limit_bytes=100 * 1024 * 1024),
)


def kernel(contextTsr, emb_table, W, b):
    pooled_t = _pool_sc(contextTsr.T.astype(jnp.int32), emb_table.T)
    out_t = _decode(pooled_t, W.T, b.reshape(1, V))
    return out_t.T

# --- scband reference (transcript-rebuilt; emitter-appended) ---
"""Pipeline reference for scband-center-word-predictor-79843442032699 (READ-ONLY COPY).

The authoritative reference and input builder live on the scoring server;
editing this copy changes nothing except your own understanding.
"""

import jax, jax.numpy as jnp
import numpy as np

V = 100000
D = 64
B = 1024
L = 20

def setup_inputs(seed: int = 0) -> dict:
    key = jax.random.key(seed)
    k1, k2, k3, k4 = jax.random.split(key, 4)
    contextTsr = jax.random.randint(k1, (B, L), 0, V)
    emb_table = jax.random.normal(k2, (V, D), dtype=jnp.float32)
    W = jax.random.normal(k3, (V, D), dtype=jnp.float32) * 0.02
    b = jax.random.normal(k4, (V,), dtype=jnp.float32) * 0.01
    return {"contextTsr": contextTsr, "emb_table": emb_table, "W": W, "b": b}

def reference(contextTsr, emb_table, W, b):
    # embedding lookup: gather rows of the table
    emb = jnp.take(emb_table, contextTsr, axis=0)  # [B, L, D]
    # mean over context window (dim=1)
    emb = jnp.mean(emb, axis=1)  # [B, D]
    # decoder linear: logits over vocabulary
    outputTsr = emb @ W.T + b  # [B, V]
    return outputTsr

if __name__ == "__main__":
    import jax
    _d = setup_inputs()
    print(jax.jit(kernel)(*tuple(_d.values())))

</pallas_src>

<mosaic_0001>
#map = affine_map<(d0, d1) -> (0, 0)>
module attributes {stable_mosaic.version = 14 : i64} {
  func.func @_pool_sc(%arg0: i32, %arg1: i32, %arg2: memref<20x1024xi32, #tpu.memory_space<hbm>>, %arg3: memref<64x100000xf32, #tpu.memory_space<hbm>>, %arg4: memref<64x1024xf32, #tpu.memory_space<hbm>>, %arg5: memref<20x1024xi32, #tpu.memory_space<vmem>>, %arg6: memref<100000xf32, #tpu.memory_space<vmem>>, %arg7: memref<1024xf32, #tpu.memory_space<vmem>>, %arg8: memref<!tpu.dma_semaphore, #tpu.memory_space<semaphore_mem>>) attributes {dimension_semantics = [#tpu.dimension_semantics<core_parallel>, #tpu.dimension_semantics<subcore_parallel>], iteration_bounds = array<i64: 2, 16>, scalar_prefetch = 0 : i64, scratch_operands = 4 : i64, tpu.core_type = #tpu.core_type<sc_vector_subcore>, window_params = [{transform_indices = #map}, {transform_indices = #map}, {transform_indices = #map}]} {
    %mul3A = arith.constant 2 : i32
    %mul3A_0 = arith.muli %arg1, %mul3A : i32
    %add3A = arith.addi %mul3A_0, %arg0 : i32
    tpu.enqueue_dma source(%arg2 : memref<20x1024xi32, #tpu.memory_space<hbm>>) target(%arg5 : memref<20x1024xi32, #tpu.memory_space<vmem>>) target_semaphore(%arg8 : memref<!tpu.dma_semaphore, #tpu.memory_space<semaphore_mem>>)
    %mul3A_1 = arith.constant 2 : i32
    %mul3A_2 = arith.muli %add3A, %mul3A_1 : i32
    %add3A_3 = arith.constant 0 : i32
    %add3A_4 = arith.addi %mul3A_2, %add3A_3 : i32
    %dma_start3A = arith.constant 0 : i32
    %dma_start3A_5 = tpu.memref_slice %arg3[%add3A_4, %dma_start3A] : memref<64x100000xf32, #tpu.memory_space<hbm>> -> memref<1x100000xf32, #tpu.memory_space<hbm>>
    %dma_start3A_6 = tpu.memref_squeeze %dma_start3A_5 : memref<1x100000xf32, #tpu.memory_space<hbm>> -> memref<100000xf32, #tpu.memory_space<hbm>>
    %dma_start3A_7 = arith.constant 0 : i32
    %dma_start3A_8 = tpu.memref_slice %arg3[%add3A_4, %dma_start3A_7] : memref<64x100000xf32, #tpu.memory_space<hbm>> -> memref<1x100000xf32, #tpu.memory_space<hbm>>
    %dma_start3A_9 = tpu.memref_squeeze %dma_start3A_8 : memref<1x100000xf32, #tpu.memory_space<hbm>> -> memref<100000xf32, #tpu.memory_space<hbm>>
    tpu.enqueue_dma source(%dma_start3A_9 : memref<100000xf32, #tpu.memory_space<hbm>>) target(%arg6 : memref<100000xf32, #tpu.memory_space<vmem>>) target_semaphore(%arg8 : memref<!tpu.dma_semaphore, #tpu.memory_space<semaphore_mem>>)
    tpu.wait_dma2 semaphore(%arg8 : memref<!tpu.dma_semaphore, #tpu.memory_space<semaphore_mem>>) src(%arg2 : memref<20x1024xi32, #tpu.memory_space<hbm>>) dst(%arg5 : memref<20x1024xi32, #tpu.memory_space<vmem>>)
    %dma_wait3A = arith.constant 0 : i32
    %dma_wait3A_10 = tpu.memref_slice %arg3[%add3A_4, %dma_wait3A] : memref<64x100000xf32, #tpu.memory_space<hbm>> -> memref<1x100000xf32, #tpu.memory_space<hbm>>
    %dma_wait3A_11 = tpu.memref_squeeze %dma_wait3A_10 : memref<1x100000xf32, #tpu.memory_space<hbm>> -> memref<100000xf32, #tpu.memory_space<hbm>>
    %dma_wait3A_12 = arith.constant 0 : i32
    %dma_wait3A_13 = tpu.memref_slice %arg3[%add3A_4, %dma_wait3A_12] : memref<64x100000xf32, #tpu.memory_space<hbm>> -> memref<1x100000xf32, #tpu.memory_space<hbm>>
    %dma_wait3A_14 = tpu.memref_squeeze %dma_wait3A_13 : memref<1x100000xf32, #tpu.memory_space<hbm>> -> memref<100000xf32, #tpu.memory_space<hbm>>
    tpu.wait_dma2 semaphore(%arg8 : memref<!tpu.dma_semaphore, #tpu.memory_space<semaphore_mem>>) src(%dma_wait3A_14 : memref<100000xf32, #tpu.memory_space<hbm>>) dst(%arg6 : memref<100000xf32, #tpu.memory_space<vmem>>)
    %parallel_loop3A = arith.constant 0 : i32
    %parallel_loop3A_15 = arith.constant 64 : i32
    %parallel_loop3A_16 = arith.constant 1 : i32
    %parallel_loop3A_17 = arith.constant 5.000000e-02 : f32
    scf.for %parallel_loop3A_62 = %parallel_loop3A to %parallel_loop3A_15 step %parallel_loop3A_16  : i32 {
      %parallel_loop3A_63 = arith.constant 16 : i32
      %parallel_loop3A_64 = arith.muli %parallel_loop3A_62, %parallel_loop3A_63 : i32
      %parallel_loop3A_65 = arith.constant 0.000000e+00 : f32
      %parallel_loop3A_66 = vector.broadcast %parallel_loop3A_65 : f32 to vector<16xf32>
      %parallel_loop3A_67 = arith.constant 0 : i32
      %parallel_loop3A_68 = arith.index_cast %parallel_loop3A_67 : i32 to index
      %parallel_loop3A_69 = arith.index_cast %parallel_loop3A_64 : i32 to index
      %parallel_loop3A_70 = tpu.vector_load %arg5[%parallel_loop3A_68, %parallel_loop3A_69] {strides = array<i32>} : memref<20x1024xi32, #tpu.memory_space<vmem>>, vector<16xi32>,
      %parallel_loop3A_71 = tpu.vector_load_idx %arg6[%parallel_loop3A_70] : memref<100000xf32, #tpu.memory_space<vmem>>[vector<16xi32>], vector<16xf32>,
      %parallel_loop3A_72 = arith.addf %parallel_loop3A_66, %parallel_loop3A_71 : vector<16xf32>
      %parallel_loop3A_73 = arith.constant 1 : i32
      %parallel_loop3A_74 = arith.index_cast %parallel_loop3A_73 : i32 to index
      %parallel_loop3A_75 = arith.index_cast %parallel_loop3A_64 : i32 to index
      %parallel_loop3A_76 = tpu.vector_load %arg5[%parallel_loop3A_74, %parallel_loop3A_75] {strides = array<i32>} : memref<20x1024xi32, #tpu.memory_space<vmem>>, vector<16xi32>,
      %parallel_loop3A_77 = tpu.vector_load_idx %arg6[%parallel_loop3A_76] : memref<100000xf32, #tpu.memory_space<vmem>>[vector<16xi32>], vector<16xf32>,
      %parallel_loop3A_78 = arith.addf %parallel_loop3A_72, %parallel_loop3A_77 : vector<16xf32>
      %parallel_loop3A_79 = arith.constant 2 : i32
      %parallel_loop3A_80 = arith.index_cast %parallel_loop3A_79 : i32 to index
      %parallel_loop3A_81 = arith.index_cast %parallel_loop3A_64 : i32 to index
      %parallel_loop3A_82 = tpu.vector_load %arg5[%parallel_loop3A_80, %parallel_loop3A_81] {strides = array<i32>} : memref<20x1024xi32, #tpu.memory_space<vmem>>, vector<16xi32>,
      %parallel_loop3A_83 = tpu.vector_load_idx %arg6[%parallel_loop3A_82] : memref<100000xf32, #tpu.memory_space<vmem>>[vector<16xi32>], vector<16xf32>,
      %parallel_loop3A_84 = arith.addf %parallel_loop3A_78, %parallel_loop3A_83 : vector<16xf32>
      %parallel_loop3A_85 = arith.constant 3 : i32
      %parallel_loop3A_86 = arith.index_cast %parallel_loop3A_85 : i32 to index
      %parallel_loop3A_87 = arith.index_cast %parallel_loop3A_64 : i32 to index
      %parallel_loop3A_88 = tpu.vector_load %arg5[%parallel_loop3A_86, %parallel_loop3A_87] {strides = array<i32>} : memref<20x1024xi32, #tpu.memory_space<vmem>>, vector<16xi32>,
      %parallel_loop3A_89 = tpu.vector_load_idx %arg6[%parallel_loop3A_88] : memref<100000xf32, #tpu.memory_space<vmem>>[vector<16xi32>], vector<16xf32>,
      %parallel_loop3A_90 = arith.addf %parallel_loop3A_84, %parallel_loop3A_89 : vector<16xf32>
      %parallel_loop3A_91 = arith.constant 4 : i32
      %parallel_loop3A_92 = arith.index_cast %parallel_loop3A_91 : i32 to index
      %parallel_loop3A_93 = arith.index_cast %parallel_loop3A_64 : i32 to index
      %parallel_loop3A_94 = tpu.vector_load %arg5[%parallel_loop3A_92, %parallel_loop3A_93] {strides = array<i32>} : memref<20x1024xi32, #tpu.memory_space<vmem>>, vector<16xi32>,
      %parallel_loop3A_95 = tpu.vector_load_idx %arg6[%parallel_loop3A_94] : memref<100000xf32, #tpu.memory_space<vmem>>[vector<16xi32>], vector<16xf32>,
      %parallel_loop3A_96 = arith.addf %parallel_loop3A_90, %parallel_loop3A_95 : vector<16xf32>
      %parallel_loop3A_97 = arith.constant 5 : i32
      %parallel_loop3A_98 = arith.index_cast %parallel_loop3A_97 : i32 to index
      %parallel_loop3A_99 = arith.index_cast %parallel_loop3A_64 : i32 to index
      %parallel_loop3A_100 = tpu.vector_load %arg5[%parallel_loop3A_98, %parallel_loop3A_99] {strides = array<i32>} : memref<20x1024xi32, #tpu.memory_space<vmem>>, vector<16xi32>,
      %parallel_loop3A_101 = tpu.vector_load_idx %arg6[%parallel_loop3A_100] : memref<100000xf32, #tpu.memory_space<vmem>>[vector<16xi32>], vector<16xf32>,
      %parallel_loop3A_102 = arith.addf %parallel_loop3A_96, %parallel_loop3A_101 : vector<16xf32>
      %parallel_loop3A_103 = arith.constant 6 : i32
      %parallel_loop3A_104 = arith.index_cast %parallel_loop3A_103 : i32 to index
      %parallel_loop3A_105 = arith.index_cast %parallel_loop3A_64 : i32 to index
      %parallel_loop3A_106 = tpu.vector_load %arg5[%parallel_loop3A_104, %parallel_loop3A_105] {strides = array<i32>} : memref<20x1024xi32, #tpu.memory_space<vmem>>, vector<16xi32>,
      %parallel_loop3A_107 = tpu.vector_load_idx %arg6[%parallel_loop3A_106] : memref<100000xf32, #tpu.memory_space<vmem>>[vector<16xi32>], vector<16xf32>,
      %parallel_loop3A_108 = arith.addf %parallel_loop3A_102, %parallel_loop3A_107 : vector<16xf32>
      %parallel_loop3A_109 = arith.constant 7 : i32
      %parallel_loop3A_110 = arith.index_cast %parallel_loop3A_109 : i32 to index
      %parallel_loop3A_111 = arith.index_cast %parallel_loop3A_64 : i32 to index
      %parallel_loop3A_112 = tpu.vector_load %arg5[%parallel_loop3A_110, %parallel_loop3A_111] {strides = array<i32>} : memref<20x1024xi32, #tpu.memory_space<vmem>>, vector<16xi32>,
      %parallel_loop3A_113 = tpu.vector_load_idx %arg6[%parallel_loop3A_112] : memref<100000xf32, #tpu.memory_space<vmem>>[vector<16xi32>], vector<16xf32>,
      %parallel_loop3A_114 = arith.addf %parallel_loop3A_108, %parallel_loop3A_113 : vector<16xf32>
      %parallel_loop3A_115 = arith.constant 8 : i32
      %parallel_loop3A_116 = arith.index_cast %parallel_loop3A_115 : i32 to index
      %parallel_loop3A_117 = arith.index_cast %parallel_loop3A_64 : i32 to index
      %parallel_loop3A_118 = tpu.vector_load %arg5[%parallel_loop3A_116, %parallel_loop3A_117] {strides = array<i32>} : memref<20x1024xi32, #tpu.memory_space<vmem>>, vector<16xi32>,
      %parallel_loop3A_119 = tpu.vector_load_idx %arg6[%parallel_loop3A_118] : memref<100000xf32, #tpu.memory_space<vmem>>[vector<16xi32>], vector<16xf32>,
      %parallel_loop3A_120 = arith.addf %parallel_loop3A_114, %parallel_loop3A_119 : vector<16xf32>
      %parallel_loop3A_121 = arith.constant 9 : i32
      %parallel_loop3A_122 = arith.index_cast %parallel_loop3A_121 : i32 to index
      %parallel_loop3A_123 = arith.index_cast %parallel_loop3A_64 : i32 to index
      %parallel_loop3A_124 = tpu.vector_load %arg5[%parallel_loop3A_122, %parallel_loop3A_123] {strides = array<i32>} : memref<20x1024xi32, #tpu.memory_space<vmem>>, vector<16xi32>,
      %parallel_loop3A_125 = tpu.vector_load_idx %arg6[%parallel_loop3A_124] : memref<100000xf32, #tpu.memory_space<vmem>>[vector<16xi32>], vector<16xf32>,
      %parallel_loop3A_126 = arith.addf %parallel_loop3A_120, %parallel_loop3A_125 : vector<16xf32>
      %parallel_loop3A_127 = arith.constant 10 : i32
      %parallel_loop3A_128 = arith.index_cast %parallel_loop3A_127 : i32 to index
      %parallel_loop3A_129 = arith.index_cast %parallel_loop3A_64 : i32 to index
      %parallel_loop3A_130 = tpu.vector_load %arg5[%parallel_loop3A_128, %parallel_loop3A_129] {strides = array<i32>} : memref<20x1024xi32, #tpu.memory_space<vmem>>, vector<16xi32>,
      %parallel_loop3A_131 = tpu.vector_load_idx %arg6[%parallel_loop3A_130] : memref<100000xf32, #tpu.memory_space<vmem>>[vector<16xi32>], vector<16xf32>,
      %parallel_loop3A_132 = arith.addf %parallel_loop3A_126, %parallel_loop3A_131 : vector<16xf32>
      %parallel_loop3A_133 = arith.constant 11 : i32
      %parallel_loop3A_134 = arith.index_cast %parallel_loop3A_133 : i32 to index
      %parallel_loop3A_135 = arith.index_cast %parallel_loop3A_64 : i32 to index
      %parallel_loop3A_136 = tpu.vector_load %arg5[%parallel_loop3A_134, %parallel_loop3A_135] {strides = array<i32>} : memref<20x1024xi32, #tpu.memory_space<vmem>>, vector<16xi32>,
      %parallel_loop3A_137 = tpu.vector_load_idx %arg6[%parallel_loop3A_136] : memref<100000xf32, #tpu.memory_space<vmem>>[vector<16xi32>], vector<16xf32>,
      %parallel_loop3A_138 = arith.addf %parallel_loop3A_132, %parallel_loop3A_137 : vector<16xf32>
      %parallel_loop3A_139 = arith.constant 12 : i32
      %parallel_loop3A_140 = arith.index_cast %parallel_loop3A_139 : i32 to index
      %parallel_loop3A_141 = arith.index_cast %parallel_loop3A_64 : i32 to index
      %parallel_loop3A_142 = tpu.vector_load %arg5[%parallel_loop3A_140, %parallel_loop3A_141] {strides = array<i32>} : memref<20x1024xi32, #tpu.memory_space<vmem>>, vector<16xi32>,
      %parallel_loop3A_143 = tpu.vector_load_idx %arg6[%parallel_loop3A_142] : memref<100000xf32, #tpu.memory_space<vmem>>[vector<16xi32>], vector<16xf32>,
      %parallel_loop3A_144 = arith.addf %parallel_loop3A_138, %parallel_loop3A_143 : vector<16xf32>
      %parallel_loop3A_145 = arith.constant 13 : i32
      %parallel_loop3A_146 = arith.index_cast %parallel_loop3A_145 : i32 to index
      %parallel_loop3A_147 = arith.index_cast %parallel_loop3A_64 : i32 to index
      %parallel_loop3A_148 = tpu.vector_load %arg5[%parallel_loop3A_146, %parallel_loop3A_147] {strides = array<i32>} : memref<20x1024xi32, #tpu.memory_space<vmem>>, vector<16xi32>,
      %parallel_loop3A_149 = tpu.vector_load_idx %arg6[%parallel_loop3A_148] : memref<100000xf32, #tpu.memory_space<vmem>>[vector<16xi32>], vector<16xf32>,
      %parallel_loop3A_150 = arith.addf %parallel_loop3A_144, %parallel_loop3A_149 : vector<16xf32>
      %parallel_loop3A_151 = arith.constant 14 : i32
      %parallel_loop3A_152 = arith.index_cast %parallel_loop3A_151 : i32 to index
      %parallel_loop3A_153 = arith.index_cast %parallel_loop3A_64 : i32 to index
      %parallel_loop3A_154 = tpu.vector_load %arg5[%parallel_loop3A_152, %parallel_loop3A_153] {strides = array<i32>} : memref<20x1024xi32, #tpu.memory_space<vmem>>, vector<16xi32>,
      %parallel_loop3A_155 = tpu.vector_load_idx %arg6[%parallel_loop3A_154] : memref<100000xf32, #tpu.memory_space<vmem>>[vector<16xi32>], vector<16xf32>,
      %parallel_loop3A_156 = arith.addf %parallel_loop3A_150, %parallel_loop3A_155 : vector<16xf32>
      %parallel_loop3A_157 = arith.constant 15 : i32
      %parallel_loop3A_158 = arith.index_cast %parallel_loop3A_157 : i32 to index
      %parallel_loop3A_159 = arith.index_cast %parallel_loop3A_64 : i32 to index
      %parallel_loop3A_160 = tpu.vector_load %arg5[%parallel_loop3A_158, %parallel_loop3A_159] {strides = array<i32>} : memref<20x1024xi32, #tpu.memory_space<vmem>>, vector<16xi32>,
      %parallel_loop3A_161 = tpu.vector_load_idx %arg6[%parallel_loop3A_160] : memref<100000xf32, #tpu.memory_space<vmem>>[vector<16xi32>], vector<16xf32>,
      %parallel_loop3A_162 = arith.addf %parallel_loop3A_156, %parallel_loop3A_161 : vector<16xf32>
      %parallel_loop3A_163 = arith.constant 16 : i32
      %parallel_loop3A_164 = arith.index_cast %parallel_loop3A_163 : i32 to index
      %parallel_loop3A_165 = arith.index_cast %parallel_loop3A_64 : i32 to index
      %parallel_loop3A_166 = tpu.vector_load %arg5[%parallel_loop3A_164, %parallel_loop3A_165] {strides = array<i32>} : memref<20x1024xi32, #tpu.memory_space<vmem>>, vector<16xi32>,
      %parallel_loop3A_167 = tpu.vector_load_idx %arg6[%parallel_loop3A_166] : memref<100000xf32, #tpu.memory_space<vmem>>[vector<16xi32>], vector<16xf32>,
      %parallel_loop3A_168 = arith.addf %parallel_loop3A_162, %parallel_loop3A_167 : vector<16xf32>
      %parallel_loop3A_169 = arith.constant 17 : i32
      %parallel_loop3A_170 = arith.index_cast %parallel_loop3A_169 : i32 to index
      %parallel_loop3A_171 = arith.index_cast %parallel_loop3A_64 : i32 to index
      %parallel_loop3A_172 = tpu.vector_load %arg5[%parallel_loop3A_170, %parallel_loop3A_171] {strides = array<i32>} : memref<20x1024xi32, #tpu.memory_space<vmem>>, vector<16xi32>,
      %parallel_loop3A_173 = tpu.vector_load_idx %arg6[%parallel_loop3A_172] : memref<100000xf32, #tpu.memory_space<vmem>>[vector<16xi32>], vector<16xf32>,
      %parallel_loop3A_174 = arith.addf %parallel_loop3A_168, %parallel_loop3A_173 : vector<16xf32>
      %parallel_loop3A_175 = arith.constant 18 : i32
      %parallel_loop3A_176 = arith.index_cast %parallel_loop3A_175 : i32 to index
      %parallel_loop3A_177 = arith.index_cast %parallel_loop3A_64 : i32 to index
      %parallel_loop3A_178 = tpu.vector_load %arg5[%parallel_loop3A_176, %parallel_loop3A_177] {strides = array<i32>} : memref<20x1024xi32, #tpu.memory_space<vmem>>, vector<16xi32>,
      %parallel_loop3A_179 = tpu.vector_load_idx %arg6[%parallel_loop3A_178] : memref<100000xf32, #tpu.memory_space<vmem>>[vector<16xi32>], vector<16xf32>,
      %parallel_loop3A_180 = arith.addf %parallel_loop3A_174, %parallel_loop3A_179 : vector<16xf32>
      %parallel_loop3A_181 = arith.constant 19 : i32
      %parallel_loop3A_182 = arith.index_cast %parallel_loop3A_181 : i32 to index
      %parallel_loop3A_183 = arith.index_cast %parallel_loop3A_64 : i32 to index
      %parallel_loop3A_184 = tpu.vector_load %arg5[%parallel_loop3A_182, %parallel_loop3A_183] {strides = array<i32>} : memref<20x1024xi32, #tpu.memory_space<vmem>>, vector<16xi32>,
      %parallel_loop3A_185 = tpu.vector_load_idx %arg6[%parallel_loop3A_184] : memref<100000xf32, #tpu.memory_space<vmem>>[vector<16xi32>], vector<16xf32>,
      %parallel_loop3A_186 = arith.addf %parallel_loop3A_180, %parallel_loop3A_185 : vector<16xf32>
      %parallel_loop3A_187 = vector.broadcast %parallel_loop3A_17 : f32 to vector<16xf32>
      %parallel_loop3A_188 = arith.mulf %parallel_loop3A_186, %parallel_loop3A_187 : vector<16xf32>
      %parallel_loop3A_189 = arith.index_cast %parallel_loop3A_64 : i32 to index
      %parallel_loop3A_190 = tpu.vector_load %arg7[%parallel_loop3A_189] {strides = array<i32>} : memref<1024xf32, #tpu.memory_space<vmem>>, vector<16xf32>,
      tpu.vector_store %arg7[%parallel_loop3A_189], %parallel_loop3A_188 {strides = array<i32>} : memref<1024xf32, #tpu.memory_space<vmem>>, vector<16xf32>,
    } {sc.loop_unroll_factor = 2 : i64, sc.parallel_access}
    %dma_start3A_18 = arith.constant 0 : i32
    %dma_start3A_19 = tpu.memref_slice %arg4[%add3A_4, %dma_start3A_18] : memref<64x1024xf32, #tpu.memory_space<hbm>> -> memref<1x1024xf32, #tpu.memory_space<hbm>>
    %dma_start3A_20 = tpu.memref_squeeze %dma_start3A_19 : memref<1x1024xf32, #tpu.memory_space<hbm>> -> memref<1024xf32, #tpu.memory_space<hbm>>
    %dma_start3A_21 = arith.constant 0 : i32
    %dma_start3A_22 = tpu.memref_slice %arg4[%add3A_4, %dma_start3A_21] : memref<64x1024xf32, #tpu.memory_space<hbm>> -> memref<1x1024xf32, #tpu.memory_space<hbm>>
    %dma_start3A_23 = tpu.memref_squeeze %dma_start3A_22 : memref<1x1024xf32, #tpu.memory_space<hbm>> -> memref<1024xf32, #tpu.memory_space<hbm>>
    tpu.enqueue_dma source(%arg7 : memref<1024xf32, #tpu.memory_space<vmem>>) target(%dma_start3A_23 : memref<1024xf32, #tpu.memory_space<hbm>>) target_semaphore(%arg8 : memref<!tpu.dma_semaphore, #tpu.memory_space<semaphore_mem>>)
    %mul3A_24 = arith.constant 2 : i32
    %mul3A_25 = arith.muli %add3A, %mul3A_24 : i32
    %add3A_26 = arith.constant 1 : i32
    %add3A_27 = arith.addi %mul3A_25, %add3A_26 : i32
    %dma_start3A_28 = arith.constant 0 : i32
    %dma_start3A_29 = tpu.memref_slice %arg3[%add3A_27, %dma_start3A_28] : memref<64x100000xf32, #tpu.memory_space<hbm>> -> memref<1x100000xf32, #tpu.memory_space<hbm>>
    %dma_start3A_30 = tpu.memref_squeeze %dma_start3A_29 : memref<1x100000xf32, #tpu.memory_space<hbm>> -> memref<100000xf32, #tpu.memory_space<hbm>>
    %dma_start3A_31 = arith.constant 0 : i32
    %dma_start3A_32 = tpu.memref_slice %arg3[%add3A_27, %dma_start3A_31] : memref<64x100000xf32, #tpu.memory_space<hbm>> -> memref<1x100000xf32, #tpu.memory_space<hbm>>
    %dma_start3A_33 = tpu.memref_squeeze %dma_start3A_32 : memref<1x100000xf32, #tpu.memory_space<hbm>> -> memref<100000xf32, #tpu.memory_space<hbm>>
    tpu.enqueue_dma source(%dma_start3A_33 : memref<100000xf32, #tpu.memory_space<hbm>>) target(%arg6 : memref<100000xf32, #tpu.memory_space<vmem>>) target_semaphore(%arg8 : memref<!tpu.dma_semaphore, #tpu.memory_space<semaphore_mem>>)
    %dma_wait3A_34 = arith.constant 0 : i32
    %dma_wait3A_35 = tpu.memref_slice %arg4[%add3A_4, %dma_wait3A_34] : memref<64x1024xf32, #tpu.memory_space<hbm>> -> memref<1x1024xf32, #tpu.memory_space<hbm>>
    %dma_wait3A_36 = tpu.memref_squeeze %dma_wait3A_35 : memref<1x1024xf32, #tpu.memory_space<hbm>> -> memref<1024xf32, #tpu.memory_space<hbm>>
    %dma_wait3A_37 = arith.constant 0 : i32
    %dma_wait3A_38 = tpu.memref_slice %arg4[%add3A_4, %dma_wait3A_37] : memref<64x1024xf32, #tpu.memory_space<hbm>> -> memref<1x1024xf32, #tpu.memory_space<hbm>>
    %dma_wait3A_39 = tpu.memref_squeeze %dma_wait3A_38 : memref<1x1024xf32, #tpu.memory_space<hbm>> -> memref<1024xf32, #tpu.memory_space<hbm>>
    tpu.wait_dma2 semaphore(%arg8 : memref<!tpu.dma_semaphore, #tpu.memory_space<semaphore_mem>>) src(%arg7 : memref<1024xf32, #tpu.memory_space<vmem>>) dst(%dma_wait3A_39 : memref<1024xf32, #tpu.memory_space<hbm>>)
    %dma_wait3A_40 = arith.constant 0 : i32
    %dma_wait3A_41 = tpu.memref_slice %arg3[%add3A_27, %dma_wait3A_40] : memref<64x100000xf32, #tpu.memory_space<hbm>> -> memref<1x100000xf32, #tpu.memory_space<hbm>>
    %dma_wait3A_42 = tpu.memref_squeeze %dma_wait3A_41 : memref<1x100000xf32, #tpu.memory_space<hbm>> -> memref<100000xf32, #tpu.memory_space<hbm>>
    %dma_wait3A_43 = arith.constant 0 : i32
    %dma_wait3A_44 = tpu.memref_slice %arg3[%add3A_27, %dma_wait3A_43] : memref<64x100000xf32, #tpu.memory_space<hbm>> -> memref<1x100000xf32, #tpu.memory_space<hbm>>
    %dma_wait3A_45 = tpu.memref_squeeze %dma_wait3A_44 : memref<1x100000xf32, #tpu.memory_space<hbm>> -> memref<100000xf32, #tpu.memory_space<hbm>>
    tpu.wait_dma2 semaphore(%arg8 : memref<!tpu.dma_semaphore, #tpu.memory_space<semaphore_mem>>) src(%dma_wait3A_45 : memref<100000xf32, #tpu.memory_space<hbm>>) dst(%arg6 : memref<100000xf32, #tpu.memory_space<vmem>>)
    %parallel_loop3A_46 = arith.constant 0 : i32
    %parallel_loop3A_47 = arith.constant 64 : i32
    %parallel_loop3A_48 = arith.constant 1 : i32
    %parallel_loop3A_49 = arith.constant 5.000000e-02 : f32
    scf.for %parallel_loop3A_62 = %parallel_loop3A_46 to %parallel_loop3A_47 step %parallel_loop3A_48  : i32 {
      %parallel_loop3A_63 = arith.constant 16 : i32
      %parallel_loop3A_64 = arith.muli %parallel_loop3A_62, %parallel_loop3A_63 : i32
      %parallel_loop3A_65 = arith.constant 0.000000e+00 : f32
      %parallel_loop3A_66 = vector.broadcast %parallel_loop3A_65 : f32 to vector<16xf32>
      %parallel_loop3A_67 = arith.constant 0 : i32
      %parallel_loop3A_68 = arith.index_cast %parallel_loop3A_67 : i32 to index
      %parallel_loop3A_69 = arith.index_cast %parallel_loop3A_64 : i32 to index
      %parallel_loop3A_70 = tpu.vector_load %arg5[%parallel_loop3A_68, %parallel_loop3A_69] {strides = array<i32>} : memref<20x1024xi32, #tpu.memory_space<vmem>>, vector<16xi32>,
      %parallel_loop3A_71 = tpu.vector_load_idx %arg6[%parallel_loop3A_70] : memref<100000xf32, #tpu.memory_space<vmem>>[vector<16xi32>], vector<16xf32>,
      %parallel_loop3A_72 = arith.addf %parallel_loop3A_66, %parallel_loop3A_71 : vector<16xf32>
      %parallel_loop3A_73 = arith.constant 1 : i32
      %parallel_loop3A_74 = arith.index_cast %parallel_loop3A_73 : i32 to index
      %parallel_loop3A_75 = arith.index_cast %parallel_loop3A_64 : i32 to index
      %parallel_loop3A_76 = tpu.vector_load %arg5[%parallel_loop3A_74, %parallel_loop3A_75] {strides = array<i32>} : memref<20x1024xi32, #tpu.memory_space<vmem>>, vector<16xi32>,
      %parallel_loop3A_77 = tpu.vector_load_idx %arg6[%parallel_loop3A_76] : memref<100000xf32, #tpu.memory_space<vmem>>[vector<16xi32>], vector<16xf32>,
      %parallel_loop3A_78 = arith.addf %parallel_loop3A_72, %parallel_loop3A_77 : vector<16xf32>
      %parallel_loop3A_79 = arith.constant 2 : i32
      %parallel_loop3A_80 = arith.index_cast %parallel_loop3A_79 : i32 to index
      %parallel_loop3A_81 = arith.index_cast %parallel_loop3A_64 : i32 to index
      %parallel_loop3A_82 = tpu.vector_load %arg5[%parallel_loop3A_80, %parallel_loop3A_81] {strides = array<i32>} : memref<20x1024xi32, #tpu.memory_space<vmem>>, vector<16xi32>,
      %parallel_loop3A_83 = tpu.vector_load_idx %arg6[%parallel_loop3A_82] : memref<100000xf32, #tpu.memory_space<vmem>>[vector<16xi32>], vector<16xf32>,
      %parallel_loop3A_84 = arith.addf %parallel_loop3A_78, %parallel_loop3A_83 : vector<16xf32>
      %parallel_loop3A_85 = arith.constant 3 : i32
      %parallel_loop3A_86 = arith.index_cast %parallel_loop3A_85 : i32 to index
      %parallel_loop3A_87 = arith.index_cast %parallel_loop3A_64 : i32 to index
      %parallel_loop3A_88 = tpu.vector_load %arg5[%parallel_loop3A_86, %parallel_loop3A_87] {strides = array<i32>} : memref<20x1024xi32, #tpu.memory_space<vmem>>, vector<16xi32>,
      %parallel_loop3A_89 = tpu.vector_load_idx %arg6[%parallel_loop3A_88] : memref<100000xf32, #tpu.memory_space<vmem>>[vector<16xi32>], vector<16xf32>,
      %parallel_loop3A_90 = arith.addf %parallel_loop3A_84, %parallel_loop3A_89 : vector<16xf32>
      %parallel_loop3A_91 = arith.constant 4 : i32
      %parallel_loop3A_92 = arith.index_cast %parallel_loop3A_91 : i32 to index
      %parallel_loop3A_93 = arith.index_cast %parallel_loop3A_64 : i32 to index
      %parallel_loop3A_94 = tpu.vector_load %arg5[%parallel_loop3A_92, %parallel_loop3A_93] {strides = array<i32>} : memref<20x1024xi32, #tpu.memory_space<vmem>>, vector<16xi32>,
      %parallel_loop3A_95 = tpu.vector_load_idx %arg6[%parallel_loop3A_94] : memref<100000xf32, #tpu.memory_space<vmem>>[vector<16xi32>], vector<16xf32>,
      %parallel_loop3A_96 = arith.addf %parallel_loop3A_90, %parallel_loop3A_95 : vector<16xf32>
      %parallel_loop3A_97 = arith.constant 5 : i32
      %parallel_loop3A_98 = arith.index_cast %parallel_loop3A_97 : i32 to index
      %parallel_loop3A_99 = arith.index_cast %parallel_loop3A_64 : i32 to index
      %parallel_loop3A_100 = tpu.vector_load %arg5[%parallel_loop3A_98, %parallel_loop3A_99] {strides = array<i32>} : memref<20x1024xi32, #tpu.memory_space<vmem>>, vector<16xi32>,
      %parallel_loop3A_101 = tpu.vector_load_idx %arg6[%parallel_loop3A_100] : memref<100000xf32, #tpu.memory_space<vmem>>[vector<16xi32>], vector<16xf32>,
      %parallel_loop3A_102 = arith.addf %parallel_loop3A_96, %parallel_loop3A_101 : vector<16xf32>
      %parallel_loop3A_103 = arith.constant 6 : i32
      %parallel_loop3A_104 = arith.index_cast %parallel_loop3A_103 : i32 to index
      %parallel_loop3A_105 = arith.index_cast %parallel_loop3A_64 : i32 to index
      %parallel_loop3A_106 = tpu.vector_load %arg5[%parallel_loop3A_104, %parallel_loop3A_105] {strides = array<i32>} : memref<20x1024xi32, #tpu.memory_space<vmem>>, vector<16xi32>,
      %parallel_loop3A_107 = tpu.vector_load_idx %arg6[%parallel_loop3A_106] : memref<100000xf32, #tpu.memory_space<vmem>>[vector<16xi32>], vector<16xf32>,
      %parallel_loop3A_108 = arith.addf %parallel_loop3A_102, %parallel_loop3A_107 : vector<16xf32>
      %parallel_loop3A_109 = arith.constant 7 : i32
      %parallel_loop3A_110 = arith.index_cast %parallel_loop3A_109 : i32 to index
      %parallel_loop3A_111 = arith.index_cast %parallel_loop3A_64 : i32 to index
      %parallel_loop3A_112 = tpu.vector_load %arg5[%parallel_loop3A_110, %parallel_loop3A_111] {strides = array<i32>} : memref<20x1024xi32, #tpu.memory_space<vmem>>, vector<16xi32>,
      %parallel_loop3A_113 = tpu.vector_load_idx %arg6[%parallel_loop3A_112] : memref<100000xf32, #tpu.memory_space<vmem>>[vector<16xi32>], vector<16xf32>,
      %parallel_loop3A_114 = arith.addf %parallel_loop3A_108, %parallel_loop3A_113 : vector<16xf32>
      %parallel_loop3A_115 = arith.constant 8 : i32
      %parallel_loop3A_116 = arith.index_cast %parallel_loop3A_115 : i32 to index
      %parallel_loop3A_117 = arith.index_cast %parallel_loop3A_64 : i32 to index
      %parallel_loop3A_118 = tpu.vector_load %arg5[%parallel_loop3A_116, %parallel_loop3A_117] {strides = array<i32>} : memref<20x1024xi32, #tpu.memory_space<vmem>>, vector<16xi32>,
      %parallel_loop3A_119 = tpu.vector_load_idx %arg6[%parallel_loop3A_118] : memref<100000xf32, #tpu.memory_space<vmem>>[vector<16xi32>], vector<16xf32>,
      %parallel_loop3A_120 = arith.addf %parallel_loop3A_114, %parallel_loop3A_119 : vector<16xf32>
      %parallel_loop3A_121 = arith.constant 9 : i32
      %parallel_loop3A_122 = arith.index_cast %parallel_loop3A_121 : i32 to index
      %parallel_loop3A_123 = arith.index_cast %parallel_loop3A_64 : i32 to index
      %parallel_loop3A_124 = tpu.vector_load %arg5[%parallel_loop3A_122, %parallel_loop3A_123] {strides = array<i32>} : memref<20x1024xi32, #tpu.memory_space<vmem>>, vector<16xi32>,
      %parallel_loop3A_125 = tpu.vector_load_idx %arg6[%parallel_loop3A_124] : memref<100000xf32, #tpu.memory_space<vmem>>[vector<16xi32>], vector<16xf32>,
      %parallel_loop3A_126 = arith.addf %parallel_loop3A_120, %parallel_loop3A_125 : vector<16xf32>
      %parallel_loop3A_127 = arith.constant 10 : i32
      %parallel_loop3A_128 = arith.index_cast %parallel_loop3A_127 : i32 to index
      %parallel_loop3A_129 = arith.index_cast %parallel_loop3A_64 : i32 to index
      %parallel_loop3A_130 = tpu.vector_load %arg5[%parallel_loop3A_128, %parallel_loop3A_129] {strides = array<i32>} : memref<20x1024xi32, #tpu.memory_space<vmem>>, vector<16xi32>,
      %parallel_loop3A_131 = tpu.vector_load_idx %arg6[%parallel_loop3A_130] : memref<100000xf32, #tpu.memory_space<vmem>>[vector<16xi32>], vector<16xf32>,
      %parallel_loop3A_132 = arith.addf %parallel_loop3A_126, %parallel_loop3A_131 : vector<16xf32>
      %parallel_loop3A_133 = arith.constant 11 : i32
      %parallel_loop3A_134 = arith.index_cast %parallel_loop3A_133 : i32 to index
      %parallel_loop3A_135 = arith.index_cast %parallel_loop3A_64 : i32 to index
      %parallel_loop3A_136 = tpu.vector_load %arg5[%parallel_loop3A_134, %parallel_loop3A_135] {strides = array<i32>} : memref<20x1024xi32, #tpu.memory_space<vmem>>, vector<16xi32>,
      %parallel_loop3A_137 = tpu.vector_load_idx %arg6[%parallel_loop3A_136] : memref<100000xf32, #tpu.memory_space<vmem>>[vector<16xi32>], vector<16xf32>,
      %parallel_loop3A_138 = arith.addf %parallel_loop3A_132, %parallel_loop3A_137 : vector<16xf32>
      %parallel_loop3A_139 = arith.constant 12 : i32
      %parallel_loop3A_140 = arith.index_cast %parallel_loop3A_139 : i32 to index
      %parallel_loop3A_141 = arith.index_cast %parallel_loop3A_64 : i32 to index
      %parallel_loop3A_142 = tpu.vector_load %arg5[%parallel_loop3A_140, %parallel_loop3A_141] {strides = array<i32>} : memref<20x1024xi32, #tpu.memory_space<vmem>>, vector<16xi32>,
      %parallel_loop3A_143 = tpu.vector_load_idx %arg6[%parallel_loop3A_142] : memref<100000xf32, #tpu.memory_space<vmem>>[vector<16xi32>], vector<16xf32>,
      %parallel_loop3A_144 = arith.addf %parallel_loop3A_138, %parallel_loop3A_143 : vector<16xf32>
      %parallel_loop3A_145 = arith.constant 13 : i32
      %parallel_loop3A_146 = arith.index_cast %parallel_loop3A_145 : i32 to index
      %parallel_loop3A_147 = arith.index_cast %parallel_loop3A_64 : i32 to index
      %parallel_loop3A_148 = tpu.vector_load %arg5[%parallel_loop3A_146, %parallel_loop3A_147] {strides = array<i32>} : memref<20x1024xi32, #tpu.memory_space<vmem>>, vector<16xi32>,
      %parallel_loop3A_149 = tpu.vector_load_idx %arg6[%parallel_loop3A_148] : memref<100000xf32, #tpu.memory_space<vmem>>[vector<16xi32>], vector<16xf32>,
      %parallel_loop3A_150 = arith.addf %parallel_loop3A_144, %parallel_loop3A_149 : vector<16xf32>
      %parallel_loop3A_151 = arith.constant 14 : i32
      %parallel_loop3A_152 = arith.index_cast %parallel_loop3A_151 : i32 to index
      %parallel_loop3A_153 = arith.index_cast %parallel_loop3A_64 : i32 to index
      %parallel_loop3A_154 = tpu.vector_load %arg5[%parallel_loop3A_152, %parallel_loop3A_153] {strides = array<i32>} : memref<20x1024xi32, #tpu.memory_space<vmem>>, vector<16xi32>,
      %parallel_loop3A_155 = tpu.vector_load_idx %arg6[%parallel_loop3A_154] : memref<100000xf32, #tpu.memory_space<vmem>>[vector<16xi32>], vector<16xf32>,
      %parallel_loop3A_156 = arith.addf %parallel_loop3A_150, %parallel_loop3A_155 : vector<16xf32>
      %parallel_loop3A_157 = arith.constant 15 : i32
      %parallel_loop3A_158 = arith.index_cast %parallel_loop3A_157 : i32 to index
      %parallel_loop3A_159 = arith.index_cast %parallel_loop3A_64 : i32 to index
      %parallel_loop3A_160 = tpu.vector_load %arg5[%parallel_loop3A_158, %parallel_loop3A_159] {strides = array<i32>} : memref<20x1024xi32, #tpu.memory_space<vmem>>, vector<16xi32>,
      %parallel_loop3A_161 = tpu.vector_load_idx %arg6[%parallel_loop3A_160] : memref<100000xf32, #tpu.memory_space<vmem>>[vector<16xi32>], vector<16xf32>,
      %parallel_loop3A_162 = arith.addf %parallel_loop3A_156, %parallel_loop3A_161 : vector<16xf32>
      %parallel_loop3A_163 = arith.constant 16 : i32
      %parallel_loop3A_164 = arith.index_cast %parallel_loop3A_163 : i32 to index
      %parallel_loop3A_165 = arith.index_cast %parallel_loop3A_64 : i32 to index
      %parallel_loop3A_166 = tpu.vector_load %arg5[%parallel_loop3A_164, %parallel_loop3A_165] {strides = array<i32>} : memref<20x1024xi32, #tpu.memory_space<vmem>>, vector<16xi32>,
      %parallel_loop3A_167 = tpu.vector_load_idx %arg6[%parallel_loop3A_166] : memref<100000xf32, #tpu.memory_space<vmem>>[vector<16xi32>], vector<16xf32>,
      %parallel_loop3A_168 = arith.addf %parallel_loop3A_162, %parallel_loop3A_167 : vector<16xf32>
      %parallel_loop3A_169 = arith.constant 17 : i32
      %parallel_loop3A_170 = arith.index_cast %parallel_loop3A_169 : i32 to index
      %parallel_loop3A_171 = arith.index_cast %parallel_loop3A_64 : i32 to index
      %parallel_loop3A_172 = tpu.vector_load %arg5[%parallel_loop3A_170, %parallel_loop3A_171] {strides = array<i32>} : memref<20x1024xi32, #tpu.memory_space<vmem>>, vector<16xi32>,
      %parallel_loop3A_173 = tpu.vector_load_idx %arg6[%parallel_loop3A_172] : memref<100000xf32, #tpu.memory_space<vmem>>[vector<16xi32>], vector<16xf32>,
      %parallel_loop3A_174 = arith.addf %parallel_loop3A_168, %parallel_loop3A_173 : vector<16xf32>
      %parallel_loop3A_175 = arith.constant 18 : i32
      %parallel_loop3A_176 = arith.index_cast %parallel_loop3A_175 : i32 to index
      %parallel_loop3A_177 = arith.index_cast %parallel_loop3A_64 : i32 to index
      %parallel_loop3A_178 = tpu.vector_load %arg5[%parallel_loop3A_176, %parallel_loop3A_177] {strides = array<i32>} : memref<20x1024xi32, #tpu.memory_space<vmem>>, vector<16xi32>,
      %parallel_loop3A_179 = tpu.vector_load_idx %arg6[%parallel_loop3A_178] : memref<100000xf32, #tpu.memory_space<vmem>>[vector<16xi32>], vector<16xf32>,
      %parallel_loop3A_180 = arith.addf %parallel_loop3A_174, %parallel_loop3A_179 : vector<16xf32>
      %parallel_loop3A_181 = arith.constant 19 : i32
      %parallel_loop3A_182 = arith.index_cast %parallel_loop3A_181 : i32 to index
      %parallel_loop3A_183 = arith.index_cast %parallel_loop3A_64 : i32 to index
      %parallel_loop3A_184 = tpu.vector_load %arg5[%parallel_loop3A_182, %parallel_loop3A_183] {strides = array<i32>} : memref<20x1024xi32, #tpu.memory_space<vmem>>, vector<16xi32>,
      %parallel_loop3A_185 = tpu.vector_load_idx %arg6[%parallel_loop3A_184] : memref<100000xf32, #tpu.memory_space<vmem>>[vector<16xi32>], vector<16xf32>,
      %parallel_loop3A_186 = arith.addf %parallel_loop3A_180, %parallel_loop3A_185 : vector<16xf32>
      %parallel_loop3A_187 = vector.broadcast %parallel_loop3A_49 : f32 to vector<16xf32>
      %parallel_loop3A_188 = arith.mulf %parallel_loop3A_186, %parallel_loop3A_187 : vector<16xf32>
      %parallel_loop3A_189 = arith.index_cast %parallel_loop3A_64 : i32 to index
      %parallel_loop3A_190 = tpu.vector_load %arg7[%parallel_loop3A_189] {strides = array<i32>} : memref<1024xf32, #tpu.memory_space<vmem>>, vector<16xf32>,
      tpu.vector_store %arg7[%parallel_loop3A_189], %parallel_loop3A_188 {strides = array<i32>} : memref<1024xf32, #tpu.memory_space<vmem>>, vector<16xf32>,
    } {sc.loop_unroll_factor = 2 : i64, sc.parallel_access}
    %dma_start3A_50 = arith.constant 0 : i32
    %dma_start3A_51 = tpu.memref_slice %arg4[%add3A_27, %dma_start3A_50] : memref<64x1024xf32, #tpu.memory_space<hbm>> -> memref<1x1024xf32, #tpu.memory_space<hbm>>
    %dma_start3A_52 = tpu.memref_squeeze %dma_start3A_51 : memref<1x1024xf32, #tpu.memory_space<hbm>> -> memref<1024xf32, #tpu.memory_space<hbm>>
    %dma_start3A_53 = arith.constant 0 : i32
    %dma_start3A_54 = tpu.memref_slice %arg4[%add3A_27, %dma_start3A_53] : memref<64x1024xf32, #tpu.memory_space<hbm>> -> memref<1x1024xf32, #tpu.memory_space<hbm>>
    %dma_start3A_55 = tpu.memref_squeeze %dma_start3A_54 : memref<1x1024xf32, #tpu.memory_space<hbm>> -> memref<1024xf32, #tpu.memory_space<hbm>>
    tpu.enqueue_dma source(%arg7 : memref<1024xf32, #tpu.memory_space<vmem>>) target(%dma_start3A_55 : memref<1024xf32, #tpu.memory_space<hbm>>) target_semaphore(%arg8 : memref<!tpu.dma_semaphore, #tpu.memory_space<semaphore_mem>>)
    %dma_wait3A_56 = arith.constant 0 : i32
    %dma_wait3A_57 = tpu.memref_slice %arg4[%add3A_27, %dma_wait3A_56] : memref<64x1024xf32, #tpu.memory_space<hbm>> -> memref<1x1024xf32, #tpu.memory_space<hbm>>
    %dma_wait3A_58 = tpu.memref_squeeze %dma_wait3A_57 : memref<1x1024xf32, #tpu.memory_space<hbm>> -> memref<1024xf32, #tpu.memory_space<hbm>>
    %dma_wait3A_59 = arith.constant 0 : i32
    %dma_wait3A_60 = tpu.memref_slice %arg4[%add3A_27, %dma_wait3A_59] : memref<64x1024xf32, #tpu.memory_space<hbm>> -> memref<1x1024xf32, #tpu.memory_space<hbm>>
    %dma_wait3A_61 = tpu.memref_squeeze %dma_wait3A_60 : memref<1x1024xf32, #tpu.memory_space<hbm>> -> memref<1024xf32, #tpu.memory_space<hbm>>
    tpu.wait_dma2 semaphore(%arg8 : memref<!tpu.dma_semaphore, #tpu.memory_space<semaphore_mem>>) src(%arg7 : memref<1024xf32, #tpu.memory_space<vmem>>) dst(%dma_wait3A_61 : memref<1024xf32, #tpu.memory_space<hbm>>)
    return
  }
}

module attributes {stable_mosaic.version = 14 : i64} {
  func.func @_decode_body(%arg0: i32, %arg1: memref<64x1024xf32, #tpu.memory_space<vmem>>, %arg2: memref<64x4096xf32, #tpu.memory_space<vmem>>, %arg3: memref<1x4096xf32, #tpu.memory_space<vmem>>, %arg4: memref<4096x1024xf32, #tpu.memory_space<vmem>>) attributes {dimension_semantics = [#tpu.dimension_semantics<arbitrary>], iteration_bounds = array<i64: 25>, scalar_prefetch = 0 : i64, scratch_operands = 0 : i64, tpu.core_type = #tpu.core_type<tc>, window_params = [{pipeline_mode = #tpu.pipeline_mode<synchronous>, transform_indices = @transform_0, window_bounds = array<i64: 64, 1024>}, {transform_indices = @transform_1, window_bounds = array<i64: 64, 4096>}, {transform_indices = @transform_2, window_bounds = array<i64: 1, 4096>}, {transform_indices = @transform_3, window_bounds = array<i64: 4096, 1024>}]} {
    %get3A = arith.constant 0 : index
    %get3A_0 = arith.constant 0 : index
    %get3A_1 = vector.load %arg2[%get3A, %get3A_0] : memref<64x4096xf32, #tpu.memory_space<vmem>>, vector<64x4096xf32>
    %get3A_2 = arith.constant 0 : index
    %get3A_3 = arith.constant 0 : index
    %get3A_4 = vector.load %arg1[%get3A_2, %get3A_3] : memref<64x1024xf32, #tpu.memory_space<vmem>>, vector<64x1024xf32>
    %dot_general3A = arith.constant dense<0.000000e+00> : vector<4096x1024xf32>
    %dot_general3A_5 = tpu.matmul %get3A_1, %get3A_4, %dot_general3A {dimension_numbers = #tpu.dot_dimension_numbers<[0], [0], [1], [1], [0, 1, 1, 1], [], []>, transpose_lhs_hint = false} : vector<64x4096xf32>, vector<64x1024xf32>, vector<4096x1024xf32> -> vector<4096x1024xf32>
    %broadcast_in_dim3A = arith.constant 1.000000e+00 : f32
    %broadcast_in_dim3A_6 = vector.broadcast %broadcast_in_dim3A : f32 to vector<1x1024xf32>
    %get3A_7 = arith.constant 0 : index
    %get3A_8 = arith.constant 0 : index
    %get3A_9 = vector.load %arg3[%get3A_7, %get3A_8] : memref<1x4096xf32, #tpu.memory_space<vmem>>, vector<1x4096xf32>
    %dot_general3A_10 = arith.constant dense<0.000000e+00> : vector<4096x1024xf32>
    %dot_general3A_11 = tpu.matmul %get3A_9, %broadcast_in_dim3A_6, %dot_general3A_10 {dimension_numbers = #tpu.dot_dimension_numbers<[0], [0], [1], [1], [0, 1, 1, 1], [], []>, transpose_lhs_hint = false} : vector<1x4096xf32>, vector<1x1024xf32>, vector<4096x1024xf32> -> vector<4096x1024xf32>
    %add3A = arith.addf %dot_general3A_5, %dot_general3A_11 : vector<4096x1024xf32>
    %swap3A = arith.constant 0 : index
    %swap3A_12 = arith.constant 0 : index
    %swap3A_13 = vector.load %arg4[%swap3A, %swap3A_12] : memref<4096x1024xf32, #tpu.memory_space<vmem>>, vector<4096x1024xf32>
    tpu.vector_store %arg4[%swap3A, %swap3A_12], %add3A {strides = array<i32>} : memref<4096x1024xf32, #tpu.memory_space<vmem>>, vector<4096x1024xf32>,
    return
  }
  func.func @transform_0(%arg0: i32) -> (i32, i32) {
    %c0_i32 = arith.constant 0 : i32
    %c0_i32_0 = arith.constant 0 : i32
    %c0_i32_1 = arith.constant 0 : i32
    return %c0_i32, %c0_i32_0 : i32, i32
  }
  func.func @transform_1(%arg0: i32) -> (i32, i32) {
    %c0_i32 = arith.constant 0 : i32
    %c0_i32_0 = arith.constant 0 : i32
    return %c0_i32, %arg0 : i32, i32
  }
  func.func @transform_2(%arg0: i32) -> (i32, i32) {
    %c0_i32 = arith.constant 0 : i32
    %c0_i32_0 = arith.constant 0 : i32
    return %c0_i32, %arg0 : i32, i32
  }
  func.func @transform_3(%arg0: i32) -> (i32, i32) {
    %c0_i32 = arith.constant 0 : i32
    %c0_i32_0 = arith.constant 0 : i32
    return %arg0, %c0_i32 : i32, i32
  }
}

</mosaic_0001>

<sc_bundles>
// kernel: kernel.4.cloned.1.call-start
scs
__scs_entry_jumppad:
0x0: {  	(pc) =	sbr.rel $0x88, $3  }
0x1: {  	(tag) =	ssettag $0x0;
	lr =	simm.s32 $0x1  }
0x2: {  	[smem:$0x3F9D] =	sst lr;
	_ =	strace $0xD0000000  }
0x3: {  	_ = 	snop  }
0x4: {  	_ = 	snop  }
0x5: {  	_ = 	snop  }
0x6: {  	_ = 	snop  }
0x7: {  	_ = 	snop  }
__scs_overlays_trampoline_lowered:
0x8: {  	[smem:$0x3FAC] =	sst s0  }
0x9: {  	[smem:$0x3FAD] =	sst s1  }
0xa: {  	[smem:$0x3FAE] =	sst s2  }
0xb: {  	[smem:$0x3FAF] =	sst s3  }
0xc: {  	[smem:$0x3FB0] =	sst s4  }
0xd: {  	[smem:$0x3FB1] =	sst s5  }
0xe: {  	[smem:$0x3FB2] =	sst s6  }
0xf: {  	[smem:$0x3FB3] =	sst s7  }
0x10: {  	[smem:$0x3FB4] =	sst s8  }
0x11: {  	[smem:$0x3FB5] =	sst s9;
	s0 =	simm.s32 @!p0 $0x0  }
0x12: {  	s1 =	sld [smem:$0x3F9B];
	s0 =	simm.s32 @p0 $0x1  }
0x13: {  	[smem:$0x3FB6] =	sst s0;
	s0 =	simm.s32 @!p1 $0x0  }
0x14: {  	s2 =	sld [smem:$0x3F9A];
	s0 =	simm.s32 @p1 $0x1  }
0x15: {  	[smem:$0x3FB7] =	sst s0;
	s0 =	simm.s32 @!p2 $0x0  }
0x16: {  	s3 =	sld [smem:$0x3FDB];
	s0 =	simm.s32 @p2 $0x1  }
0x17: {  	s4 =	simm.s32 $0x1BF5;
	[smem:$0x3FB9] =	sst s0  }
0x18: {  	s0 =	sld [smem:$0x3F9C];
	_ =	swait.ge [sflag:s4], $0x0  }
0x19: {  	s7 =	sld [smem:$0x3F9D]  }
0x1a: {  	s8 =	sadd.s32 $0xFFFFE003, lr  }
0x1b: {  	s9 =	sadd.s32 $0xFFFFFEF7, lr;
	s5 =	simm.s32 $0xFFFFFFFF;
	p2 =	slt.u32 s8, $0xFFFFF086  }
0x1c: {  	p1 =	slt.u32 s9, $0xF7A;
	s5 =	simm.s32 @!p2 $0x0  }
0x1d: {  	s5 =	simm.s32 @p1 $0x1;
	p0 =	seq.s32 s7, s2  }
0x1e: {  	s7 =	smul.u32 @!p0 $0xF7A, s2;
	p2 =	seq.s32 @!p0 s5, $0x0  }
0x1f: {  	s9 =	smul.u32 $0xF7A, s1;
	s8 =	simm.s32 @!p0 $0x1BF5;
	p2 =	por !p2, p0  }
0x20: {  	[sflag:s8] =	ssyncset.s32 @!p0 $0xFFFFF086;
	s6 =	sadd.s32 @!p0 s3, s7;
	s7 =	simm.s32 @!p0 $0x108  }
0x21: {  	s3 =	sadd.s32 s3, s9;
	s6 =	sadd.s32 @!p0 $0x88, s6;
	s7 =	simm.s32 @p2 $0x1082  }
0x22: {  	[simem:s7], [sflag:s8] =	dma.local @!p0 [hbm:s6], $0xF7A  }
0x23: {  	s9 =	sor.u32 $0xD0000000, s2;
	s6 =	simm.s32 $0x108;
	_ =	swait.ge @!p0 [sflag:s8], $0x0  }
0x24: {  	s3 =	sadd.s32 $0x88, s3;
	s6 =	simm.s32 @!p1 $0x1082;
	[sflag:s4] =	ssyncset.s32 $0xFFFFF086  }
0x25: {  	[simem:s6], [sflag:s4] =	dma.local [hbm:s3], $0xF7A  }
0x26: {  	[smem:$0x3F9D] =	sst s1;
	(tag) =	ssettag s2;
	_ =	strace s9  }
0x27: {  	s1 =	sld [smem:$0x3FAD]  }
0x28: {  	s2 =	sld [smem:$0x3FAE]  }
0x29: {  	s4 =	sld [smem:$0x3FB0]  }
0x2a: {  	p0 =	seq.s32 s5, $0x0;
	s5 =	sld [smem:$0x3FB1]  }
0x2b: {  	s6 =	sld [smem:$0x3FB2]  }
0x2c: {  	s7 =	sld [smem:$0x3FB3]  }
0x2d: {  	s3 =	simm.s32 $0x108;
	s8 =	sld [smem:$0x3FB4]  }
0x2e: {  	s3 =	simm.s32 @!p0 $0x1082;
	s9 =	sld [smem:$0x3FB5]  }
0x2f: {  	lr =	sadd.s32 s0, s3;
	s0 =	sld [smem:$0x3FAC]  }
0x30: {  	s3 =	sld [smem:$0x3FAF]  }
0x31: {  	[smem:$0x3FB8] =	sst s10  }
0x32: {  	s10 =	sld [smem:$0x3FB6];
	_ =	sdelay $0x3  }
0x33: {  	p0 =	seq.s32 s10, $0x1;
	s10 =	sld [smem:$0x3FB8];
	_ =	sdelay $0x3  }
0x34: {  	[smem:$0x3FB8] =	sst s10  }
0x35: {  	s10 =	sld [smem:$0x3FB7];
	_ =	sdelay $0x3  }
0x36: {  	p1 =	seq.s32 s10, $0x1;
	s10 =	sld [smem:$0x3FB8];
	_ =	sdelay $0x3  }
0x37: {  	[smem:$0x3FB8] =	sst s10  }
0x38: {  	s10 =	sld [smem:$0x3FB9]  }
0x39: {  	_ = 	snop;
	(pc) =	sbr.ind lr, $3  }
0x3a: {  	_ = 	snop  }
0x3b: {  	_ = 	snop  }
0x3c: {  	p2 =	seq.s32 s10, $0x1;
	s10 =	sld [smem:$0x3FB8]  }
0x3d: {  	_ =	shalt  }
0x3e: {  	_ =	shalt  }
0x3f: {  	_ =	shalt  }
0x40: {  	_ =	shalt  }
0x41: {  	_ =	shalt  }
0x42: {  	_ =	shalt  }
0x43: {  	_ =	shalt  }
0x44: {  	_ =	shalt  }
0x45: {  	_ =	shalt  }
0x46: {  	_ =	shalt  }
0x47: {  	_ =	shalt  }
0x48: {  	_ =	shalt  }
0x49: {  	_ =	shalt  }
0x4a: {  	_ =	shalt  }
0x4b: {  	_ =	shalt  }
0x4c: {  	_ =	shalt  }
0x4d: {  	_ =	shalt  }
0x4e: {  	_ =	shalt  }
0x4f: {  	_ =	shalt  }
0x50: {  	_ =	shalt  }
0x51: {  	_ =	shalt  }
0x52: {  	_ =	shalt  }
0x53: {  	_ =	shalt  }
0x54: {  	_ =	shalt  }
0x55: {  	_ =	shalt  }
0x56: {  	_ =	shalt  }
0x57: {  	_ =	shalt  }
0x58: {  	_ =	shalt  }
0x59: {  	_ =	shalt  }
0x5a: {  	_ =	shalt  }
0x5b: {  	_ =	shalt  }
0x5c: {  	_ =	shalt  }
0x5d: {  	_ =	shalt  }
0x5e: {  	_ =	shalt  }
0x5f: {  	_ =	shalt  }
0x60: {  	_ =	shalt  }
0x61: {  	_ =	shalt  }
0x62: {  	_ =	shalt  }
0x63: {  	_ =	shalt  }
0x64: {  	_ =	shalt  }
0x65: {  	_ =	shalt  }
0x66: {  	_ =	shalt  }
0x67: {  	_ =	shalt  }
0x68: {  	_ =	shalt  }
0x69: {  	_ =	shalt  }
0x6a: {  	_ =	shalt  }
0x6b: {  	_ =	shalt  }
0x6c: {  	_ =	shalt  }
0x6d: {  	_ =	shalt  }
0x6e: {  	_ =	shalt  }
0x6f: {  	_ =	shalt  }
0x70: {  	_ =	shalt  }
0x71: {  	_ =	shalt  }
0x72: {  	_ =	shalt  }
0x73: {  	_ =	shalt  }
0x74: {  	_ =	shalt  }
0x75: {  	_ =	shalt  }
0x76: {  	_ =	shalt  }
0x77: {  	_ =	shalt  }
0x78: {  	_ =	shalt  }
0x79: {  	_ =	shalt  }
0x7a: {  	_ =	shalt  }
0x7b: {  	_ =	shalt  }
0x7c: {  	_ =	shalt  }
0x7d: {  	_ =	shalt  }
0x7e: {  	_ =	shalt  }
0x7f: {  	_ =	shalt  }
0x80: {  	_ =	shalt  }
0x81: {  	_ =	shalt  }
0x82: {  	_ =	shalt  }
0x83: {  	_ =	shalt  }
0x84: {  	_ =	shalt  }
0x85: {  	_ =	shalt  }
0x86: {  	_ =	shalt  }
0x87: {  	_ =	shalt  }
.Lfunc_end0:
.L_simem_size_0:
called_computation_lowered:
.L_overlay_start_0:
0x88: {  	s2 =	sld [smem:$0x3FD9]  }
0x89: {  	s3 =	sld [smem:$0x3FFE];
	_ =	sdelay $0x1  }
0x8a: {  	s1 =	srdreg.scid  }
0x8b: {  	s0 =	sand.u32 $0x1, s1  }
0x8c: {  	s17 =	sshll.u32 s0, $0xA;
	s2 =	sadd.s32 s3, s2  }
0x8d: {  	s2 =	sadd.s32 s2, s17  }
0x8e: {  	[smem:$0x3FC4] =	sst s2  }
0x8f: {  	_ = 	snop  }
0x90: {  	s2 =	sld [smem:$0x3FC9]  }
0x91: {  	s18 =	sld [smem:$0x3FC8];
	(tm) =	ssettm $0x1  }
0x92: {  	s4 =	sld [smem:$0x3FFB];
	_ =	sdelay $0x3  }
0x93: {  	_ =	strace s4  }
0x94: {  	s4 =	sld [smem:$0x3FFC];
	_ =	sdelay $0x3  }
0x95: {  	_ =	strace s4  }
0x96: {  	s4 =	sld [smem:$0x3FFD];
	_ =	sdelay $0x3  }
0x97: {  	_ =	strace s4  }
0x98: {  	_ =	strace $0x8FFFFFFF  }
0x99: {  	s19 =	sld [smem:$0x3FDB];
	_ =	sdelay $0x1  }
0x9a: {  	s5 =	simm.s32 $_scs_section_size  }
0x9b: {  	s6 =	simm.s32 $_size__tile_overlayer_lowered;
	s7 =	simm.s32 $_tile_overlayer_lowered  }
0x9c: {  	s22 =	simm.s32 $0x1BFF;
	s21 =	sshll.u32 s7, $0x1;
	s4 =	sadd.s32 s5, s19  }
0x9d: {  	s8 =	simm.s32 $0x0;
	s20 =	sshll.u32 s6, $0x1;
	s6 =	sadd.s32 s21, s4  }
0x9e: {  	[timem:s8], [sflag:s22] =	dma.local [hbm:s6], s20  }
0x9f: {  	_ =	swait.ge [sflag:s22], s20  }
0xa0: {  	s5 =	ssub.s32 $0x0, s20;
	[sflag:s22] =	ssyncset.done $0x0  }
0xa1: {  	[sflag:s22] =	ssyncadd.s32 s5;
	_ =	sdelay $0x1  }
0xa2: {  	s23 =	simm.s32 $0x1B8B  }
0xa3: {  	_ =	swait.ge [sflag:s23], $0x1  }
0xa4: {  	[sflag:s23] =	ssyncset.done $0x0  }
0xa5: {  	s25 =	simm.s32 $0x1B8E;
	s24 =	sld [smem:$0x3FFE];
	[sflag:s23] =	ssyncadd.s32 $0xFFFFFFFF  }
0xa6: {  	s26 =	simm.s32 $execute0_lowered;
	[smem:$0x3FD2] =	sst s25  }
0xa7: {  	s6 =	sshll.u32 s26, $0x1;
	_ =	strace $0x80000046;
	[dreg:$0x1] =	wrdreg $0xFFFFFFFF  }
0xa8: {  	s28 =	simm.s32 $_size_execute0_lowered;
	s4 =	sadd.s32 s4, s6;
	[dreg:$0x0] =	wrdreg $0x0  }
0xa9: {  	s6 =	sshll.u32 s28, $0x1;
	[dreg:$0x2] =	wrdreg s4  }
0xaa: {  	[dreg:$0x3] =	wrdreg s6  }
0xab: {  	[dreg:$0x4] =	wrdreg $0xC0  }
0xac: {  	_ =	task [dreg:s8], $0x5FFFF  }
0xad: {  	[dreg:$0x1] =	wrdreg $0xFFFFFFFF  }
0xae: {  	[dreg:$0x0] =	wrdreg $0x60  }
0xaf: {  	[dreg:$0x2] =	wrdreg s2  }
0xb0: {  	[dreg:$0x3] =	wrdreg s18  }
0xb1: {  	[dreg:$0x4] =	wrdreg s24  }
0xb2: {  	[dreg:$0x5] =	wrdreg $0x9  }
0xb3: {  	_ =	task.clear_ibuf [dreg:s8], $0x6FFFF;
	_ =	strace $0x90000046  }
0xb4: {  	s29 =	simm.s32 $0x9;
	_ =	strace $0x80000048  }
0xb5: {  	_ =	swait.ge [sflag:s29], $0x1  }
0xb6: {  	[sflag:s29] =	ssyncadd.s32 $0xFFFFFFFF  }
0xb7: {  	_ =	strace $0x90000048  }
0xb8: {  	_ =	sfence  }
0xb9: {  	s30 =	sld [smem:$0x0];
	_ =	sdelay $0x2  }
0xba: {  	s31 =	sshll.u32 s1, $0xD;
	s1 =	sshrl.u32 s1, $0x2  }
0xbb: {  	s3 =	sand.u32 $0x4000, s31;
	s1 =	sadd.s32 s1, s30  }
0xbc: {  	s0 =	sor.u32 s3, s0;
	s1 =	sshll.u32 s1, $0x11  }
0xbd: {  	s0 =	sor.u32 s1, s0  }
0xbe: {  	s0 =	sadd.s32 $0x8F2B, s0  }
0xbf: {  	[sflag:s0] =	ssyncadd.remote.s32 $0x1  }
0xc0: {  	_ =	sfence.sel $0xFFFF  }
0xc1: {  	[dreg:$0x0] =	wrdreg $0xFFFFFFFF;
	(pc) =	sbr.abs _section_cstart, $3  }
0xc2: {  	[dreg:$0x1] =	wrdreg $0xFFFFFFFF  }
0xc3: {  	_ =	task.clear_ibuf [dreg:s8], $0x2FFFF;
	_ =	strace $0x9FFFFFFF  }
0xc4: {  	(tm) =	ssettm $0x7FFFFFFF  }
0xc5: {  	_ =	shalt  }
tec
execute0_lowered:
.L_overlay_start_1:
0x0: {  	(tag) =	ssettag $0x1  }
0x1: {  	s0 =	rddreg [dreg:$0x1]  }
0x2: {  	s1 =	rddreg [dreg:$0x2];
	s3 =	simm.s32 $0x0;
	s2 =	srdreg.scid  }
0x3: {  	s5 =	stileid.u32;
	s9 =	simm.s32 $0x80;
	s10 =	simm.s32 $0x400  }
0x4: {  	s11 =	simm.s32 $0x6000;
	s12 =	simm.s32 $0x1;
	s14 =	simm.s32 $0x0  }
0x5: {  	[smem:$0x7FF] =	sst s3;
	s2 =	sand.u32 $0x1, s2;
	s4 =	sshll.u32 s5, $0x9  }
0x6: {  	s5 =	sshrl.u32 s5, $0x1;
	s1 =	sadd.s32 $0x600, s1;
	s6 =	sshll.u32 s2, $0x8  }
0x7: {  	s4 =	sand.u32 $0x200, s4;
	s7 =	smul.u32 $0xC3800, s5;
	_ =	strace $0x80000047  }
0x8: {  	s2 =	ssub.s32 $0x2, s2;
	s5 =	sshll.u32 s5, $0xD;
	s4 =	sor.u32 s6, s4  }
0x9: {  	s8 =	sor.u32 s7, s4;
	s28 =	sor.u32 s5, s4;
	s4 =	sor.u32 $0x80, s4  }
0xa: {  	s25 =	sshrl.u32 s2, $0x1;
	s26 =	sshrl.u32 s8, $0x3;
	s7 =	sor.u32 s7, s4  }
0xb: {  	s4 =	sor.u32 s5, s4;
	s6 =	sadd.s32 s0, s26;
	s30 =	sshrl.u32 s7, $0x3  }
0xc: {  	s4 =	sshrl.u32 s4, $0x3;
	[dreg:$0x4] =	wrdreg s6;
	s0 =	sadd.s32 s0, s30  }
0xd: {  	s6 =	sshrl.u32 s28, $0x3;
	s31 =	sadd.s32 s1, s4;
	[dreg:$0x6] =	wrdreg s0  }
0xe: {  	s2 =	ssub.s32 s2, s25;
	s29 =	sadd.s32 s1, s6;
	[dreg:$0x7] =	wrdreg s31  }
0xf: {  	s8 =	smax.u32 s2, $0x1;
	s7 =	simm.s32 $0x1E700;
	[dreg:$0x5] =	wrdreg s29  }
.LBB2_1:
0x10: {  	s0 =	rddreg [dreg:$0x0]  }
0x11: {  	[tilespmem:s3], [sflag:$0x1] =	stream.linear.gather [hbm4b:s0+s3], $0x6000, $0x38;
	[tilespmem:$0x1EB00] =	vst v63  }
0x12: {  	s5 =	rddreg [dreg:$0x4]  }
0x13: {  	[tilespmem:s11], [sflag:$0x1] =	stream.strided.gather [hbm4b:s5+s9], $0x18700, s10, s9, $0x38;
	[tilespmem:$0x1EB00] =	vst v63  }
0x14: {  	_ =	swait.ge [sflag:s12], $0x6000  }
0x15: {  	[sflag:s12] =	ssyncset.done $0x0  }
0x16: {  	[sflag:s12] =	ssyncadd.s32 $0xFFFFA000  }
0x17: {  	s20 =	sand.u32 $0x60, s3;
	_ =	swait.ge [sflag:s12], $0x18700  }
0x18: {  	s1 =	sand.u32 $0x1C00, s3;
	s16 =	sor.u32 $0x10, s20;
	[sflag:s12] =	ssyncset.done $0x0  }
0x19: {  	s2 =	sor.u32 s16, s1;
	[sflag:s12] =	ssyncadd.s32 $0xFFFE7900  }
0x1a: {  	v0 =	vld [tilespmem:s2+$0x0];
	_ =	sdelay $0x1  }
0x1b: {  	v2 =	vld [tilespmem:s2+$0x80];
	_ =	sdelay $0x1  }
0x1c: {  	s6 =	sor.u32 s20, s1  }
0x1d: {  	v1 =	vld [tilespmem:s6+$0x0]  }
0x1e: {  	v3 =	vld [tilespmem:s6+$0x80]  }
0x1f: {  	v4 =	vld [tilespmem:s2+$0x100]  }
0x20: {  	v39 =	vld.idx.msk [tilespmem:v0+s11+$0x0], $0xffff  }
0x21: {  	v0 =	vld [tilespmem:s2+$0x280]  }
0x22: {  	v38 =	vld.idx.msk [tilespmem:v2+s11+$0x0], $0xffff  }
0x23: {  	v2 =	vld [tilespmem:s2+$0x300]  }
0x24: {  	v5 =	vld [tilespmem:s6+$0x100]  }
0x25: {  	v6 =	vld [tilespmem:s2+$0x180]  }
0x26: {  	v7 =	vld [tilespmem:s2+$0x200]  }
0x27: {  	v34 =	vld.idx.msk [tilespmem:v4+s11+$0x0], $0xffff  }
0x28: {  	s13 =	sor.u32 $0x2100, s1;
	v4 =	vld [tilespmem:s2+$0x380]  }
0x29: {  	s22 =	sor.u32 s16, s13;
	v26 =	vld.idx.msk [tilespmem:v0+s11+$0x0], $0xffff  }
0x2a: {  	s15 =	sor.u32 $0x2180, s1;
	v0 =	vld [tilespmem:s22+$0x0]  }
0x2b: {  	s23 =	sor.u32 s16, s15;
	v28 =	vld.idx.msk [tilespmem:v2+s11+$0x0], $0xffff  }
0x2c: {  	s4 =	sor.u32 $0x2000, s1;
	v2 =	vld [tilespmem:s23+$0x0]  }
0x2d: {  	s19 =	sor.u32 s16, s4;
	v31 =	vld.idx.msk [tilespmem:v6+s11+$0x0], $0xffff  }
0x2e: {  	s5 =	sor.u32 $0x2080, s1;
	v6 =	vld [tilespmem:s19+$0x0]  }
0x2f: {  	s21 =	sor.u32 s16, s5;
	v25 =	vld.idx.msk [tilespmem:v7+s11+$0x0], $0xffff  }
0x30: {  	s17 =	sor.u32 $0x2200, s1;
	v7 =	vld [tilespmem:s21+$0x0]  }
0x31: {  	s24 =	sor.u32 s16, s17;
	v32 =	vld.idx.msk [tilespmem:v4+s11+$0x0], $0xffff  }
0x32: {  	v4 =	vld [tilespmem:s24+$0x0]  }
0x33: {  	s21 =	sor.u32 $0x2380, s1;
	v20 =	vld.idx.msk [tilespmem:v0+s11+$0x0], $0xffff  }
0x34: {  	s28 =	sor.u32 s16, s21;
	v0 =	vld.idx.msk [tilespmem:v2+s11+$0x0], $0xffff  }
0x35: {  	s18 =	sor.u32 $0x2280, s1;
	v8 =	vld [tilespmem:s28+$0x0]  }
0x36: {  	s25 =	sor.u32 s16, s18;
	v33 =	vld.idx.msk [tilespmem:v6+s11+$0x0], $0xffff  }
0x37: {  	s19 =	sor.u32 $0x2300, s1;
	v6 =	vld [tilespmem:s25+$0x0]  }
0x38: {  	s26 =	sor.u32 s16, s19;
	v29 =	vld.idx.msk [tilespmem:v7+s11+$0x0], $0xffff  }
0x39: {  	v7 =	vld [tilespmem:s26+$0x0];
	[tilespmem:$0x1FEB0] =	vst v0  }
0x3a: {  	v0 =	vld.idx.msk [tilespmem:v4+s11+$0x0], $0xffff;
	_ =	sdelay $0x2  }
0x3b: {  	s23 =	sor.u32 $0x4000, s1  }
0x3c: {  	s29 =	sor.u32 s16, s23  }
0x3d: {  	v2 =	vld [tilespmem:s29+$0x0];
	[tilespmem:$0x1FEC0] =	vst v0  }
0x3e: {  	v0 =	vld.idx.msk [tilespmem:v6+s11+$0x0], $0xffff;
	_ =	sdelay $0x2  }
0x3f: {  	s24 =	sor.u32 $0x4080, s1  }
0x40: {  	s30 =	sor.u32 s16, s24  }
0x41: {  	v4 =	vld [tilespmem:s30+$0x0];
	[tilespmem:$0x1FED0] =	vst v0  }
0x42: {  	v0 =	vld.idx.msk [tilespmem:v7+s11+$0x0], $0xffff;
	_ =	sdelay $0x2  }
0x43: {  	s25 =	sor.u32 $0x4100, s1  }
0x44: {  	s31 =	sor.u32 s16, s25  }
0x45: {  	v6 =	vld [tilespmem:s31+$0x0];
	[tilespmem:$0x1FEE0] =	vst v0  }
0x46: {  	v0 =	vld.idx.msk [tilespmem:v8+s11+$0x0], $0xffff;
	_ =	sdelay $0x2  }
0x47: {  	s22 =	sor.u32 $0x4180, s1  }
0x48: {  	s1 =	sor.u32 s16, s22  }
0x49: {  	v7 =	vld [tilespmem:s1+$0x0];
	[tilespmem:$0x1FEF0] =	vst v0  }
0x4a: {  	v0 =	vld.idx.msk [tilespmem:v2+s11+$0x0], $0xffff;
	_ =	sdelay $0x4  }
0x4b: {  	v61 =	vld.idx.msk [tilespmem:v1+s11+$0x0], $0xffff;
	[tilespmem:$0x1FF00] =	vst v0  }
0x4c: {  	v0 =	vld.idx.msk [tilespmem:v6+s11+$0x0], $0xffff;
	_ =	sdelay $0x2  }
0x4d: {  	v1 =	vld [tilespmem:s6+$0x180]  }
0x4e: {  	v23 =	vld.idx.msk [tilespmem:v4+s11+$0x0], $0xffff  }
0x4f: {  	v62 =	vld.idx.msk [tilespmem:v3+s11+$0x0], $0xffff;
	[tilespmem:$0x1FF10] =	vst v0  }
0x50: {  	v0 =	vld.idx.msk [tilespmem:v7+s11+$0x0], $0xffff;
	_ =	sdelay $0x4  }
0x51: {  	v2 =	vld [tilespmem:s6+$0x200];
	[tilespmem:$0x1FF20] =	vst v0  }
0x52: {  	v60 =	vld.idx.msk [tilespmem:v5+s11+$0x0], $0xffff  }
0x53: {  	v54 =	vld.idx.msk [tilespmem:v1+s11+$0x0], $0xffff  }
0x54: {  	v1 =	vld [tilespmem:s6+$0x300]  }
0x55: {  	v3 =	vld [tilespmem:s6+$0x280]  }
0x56: {  	s4 =	sor.u32 s20, s4;
	v4 =	vld [tilespmem:s6+$0x380]  }
0x57: {  	s13 =	sor.u32 s20, s13;
	v5 =	vld [tilespmem:s4+$0x0]  }
0x58: {  	v6 =	vld [tilespmem:s13+$0x0]  }
0x59: {  	s6 =	sor.u32 s20, s5;
	v52 =	vld.idx.msk [tilespmem:v2+s11+$0x0], $0xffff  }
0x5a: {  	s2 =	sor.u32 s20, s24;
	v2 =	vld [tilespmem:s6+$0x0]  }
0x5b: {  	v7 =	vld [tilespmem:s2+$0x0]  }
0x5c: {  	s26 =	sor.u32 s20, s17;
	v44 =	vld.idx.msk [tilespmem:v1+s11+$0x0], $0xffff  }
0x5d: {  	s4 =	sor.u32 s20, s25;
	v1 =	vld [tilespmem:s26+$0x0]  }
0x5e: {  	v8 =	vld [tilespmem:s4+$0x0]  }
0x5f: {  	s15 =	sor.u32 s20, s15;
	v48 =	vld.idx.msk [tilespmem:v3+s11+$0x0], $0xffff  }
0x60: {  	v3 =	vld [tilespmem:s15+$0x0]  }
0x61: {  	v41 =	vld.idx.msk [tilespmem:v4+s11+$0x0], $0xffff  }
0x62: {  	s28 =	sor.u32 s20, s18;
	v27 =	vld.idx.msk [tilespmem:v2+s11+$0x0], $0xffff  }
0x63: {  	v2 =	vld [tilespmem:s28+$0x0]  }
0x64: {  	v35 =	vld.idx.msk [tilespmem:v5+s11+$0x0], $0xffff  }
0x65: {  	v0 =	vld.idx.msk [tilespmem:v1+s11+$0x0], $0xffff  }
0x66: {  	s29 =	sor.u32 s20, s19;
	v22 =	vld.idx.msk [tilespmem:v6+s11+$0x0], $0xffff  }
0x67: {  	s30 =	sor.u32 s20, s21;
	v4 =	vld [tilespmem:s29+$0x0]  }
0x68: {  	s31 =	sor.u32 s20, s23;
	v5 =	vld [tilespmem:s30+$0x0]  }
0x69: {  	v6 =	vld [tilespmem:s31+$0x0]  }
0x6a: {  	v36 =	vld.idx.msk [tilespmem:v3+s11+$0x0], $0xffff;
	[tilespmem:$0x1FF30] =	vst v0  }
0x6b: {  	v0 =	vld.idx.msk [tilespmem:v2+s11+$0x0], $0xffff;
	_ =	sdelay $0x4  }
0x6c: {  	[tilespmem:$0x1FF40] =	vst v0  }
0x6d: {  	v0 =	vld.idx.msk [tilespmem:v4+s11+$0x0], $0xffff;
	_ =	sdelay $0x4  }
0x6e: {  	[tilespmem:$0x1FF50] =	vst v0  }
0x6f: {  	v0 =	vld.idx.msk [tilespmem:v5+s11+$0x0], $0xffff;
	_ =	sdelay $0x4  }
0x70: {  	[tilespmem:$0x1FF60] =	vst v0  }
0x71: {  	v0 =	vld.idx.msk [tilespmem:v6+s11+$0x0], $0xffff;
	_ =	sdelay $0x4  }
0x72: {  	[tilespmem:$0x1FF70] =	vst v0  }
0x73: {  	v0 =	vld.idx.msk [tilespmem:v7+s11+$0x0], $0xffff;
	_ =	sdelay $0x4  }
0x74: {  	[tilespmem:$0x1FF80] =	vst v0  }
0x75: {  	v0 =	vld.idx.msk [tilespmem:v8+s11+$0x0], $0xffff;
	_ =	sdelay $0x1  }
0x76: {  	s17 =	simm.s32 $0x20  }
0x77: {  	s23 =	sand.u32 $0x60, s17;
	s5 =	simm.s32 $0x100  }
0x78: {  	s18 =	sor.u32 $0x10, s23;
	s6 =	sand.u32 $0x1C00, s5  }
0x79: {  	s0 =	sor.u32 s18, s6;
	[tilespmem:$0x1FF90] =	vst v0  }
0x7a: {  	v1 =	vld [tilespmem:s0+$0x0];
	_ =	sdelay $0x1  }
0x7b: {  	v3 =	vld [tilespmem:s0+$0x80];
	_ =	sdelay $0x1  }
0x7c: {  	s4 =	sor.u32 s23, s6;
	v5 =	vld [tilespmem:s0+$0x100]  }
0x7d: {  	v2 =	vld [tilespmem:s4+$0x0]  }
0x7e: {  	v7 =	vld [tilespmem:s0+$0x180]  }
0x7f: {  	v8 =	vld [tilespmem:s0+$0x200]  }
0x80: {  	v18 =	vld.idx.msk [tilespmem:v1+s11+$0x0], $0xffff  }
0x81: {  	v1 =	vld [tilespmem:s0+$0x280]  }
0x82: {  	v21 =	vld.idx.msk [tilespmem:v3+s11+$0x0], $0xffff  }
0x83: {  	v3 =	vld [tilespmem:s0+$0x300]  }
0x84: {  	v63 =	vld.idx.msk [tilespmem:v5+s11+$0x0], $0xffff  }
0x85: {  	v5 =	vld [tilespmem:s0+$0x380]  }
0x86: {  	s13 =	sor.u32 $0x2080, s6;
	v57 =	vld.idx.msk [tilespmem:v7+s11+$0x0], $0xffff  }
0x87: {  	s5 =	sor.u32 $0x2000, s6;
	s19 =	sor.u32 s18, s13;
	v56 =	vld.idx.msk [tilespmem:v8+s11+$0x0], $0xffff  }
0x88: {  	s15 =	sor.u32 s18, s5;
	v8 =	vld [tilespmem:s19+$0x0]  }
0x89: {  	v7 =	vld [tilespmem:s15+$0x0];
	s15 =	sor.u32 $0x2100, s6  }
0x8a: {  	s21 =	sor.u32 s18, s15;
	v51 =	vld.idx.msk [tilespmem:v1+s11+$0x0], $0xffff  }
0x8b: {  	s19 =	sor.u32 $0x2180, s6;
	v1 =	vld [tilespmem:s21+$0x0]  }
0x8c: {  	s24 =	sor.u32 s18, s19;
	v47 =	vld.idx.msk [tilespmem:v3+s11+$0x0], $0xffff  }
0x8d: {  	s21 =	sor.u32 $0x2200, s6;
	v3 =	vld [tilespmem:s24+$0x0]  }
0x8e: {  	v45 =	vld.idx.msk [tilespmem:v5+s11+$0x0], $0xffff;
	s25 =	sor.u32 s18, s21  }
0x8f: {  	v5 =	vld [tilespmem:s25+$0x0];
	s25 =	sor.u32 $0x2300, s6  }
0x90: {  	v42 =	vld.idx.msk [tilespmem:v8+s11+$0x0], $0xffff;
	s28 =	sor.u32 s18, s25  }
0x91: {  	v8 =	vld [tilespmem:s28+$0x0]  }
0x92: {  	v4 =	vld [tilespmem:s4+$0x80]  }
0x93: {  	v6 =	vld [tilespmem:s4+$0x100];
	s24 =	sor.u32 $0x2280, s6  }
0x94: {  	v43 =	vld.idx.msk [tilespmem:v7+s11+$0x0], $0xffff;
	s26 =	sor.u32 s18, s24  }
0x95: {  	v7 =	vld [tilespmem:s26+$0x0];
	s26 =	sor.u32 $0x2380, s6  }
0x96: {  	s29 =	sor.u32 s18, s26;
	v40 =	vld.idx.msk [tilespmem:v1+s11+$0x0], $0xffff  }
0x97: {  	v1 =	vld [tilespmem:s29+$0x0]  }
0x98: {  	s28 =	sor.u32 $0x4000, s6;
	v37 =	vld.idx.msk [tilespmem:v3+s11+$0x0], $0xffff  }
0x99: {  	s30 =	sor.u32 s18, s28;
	v0 =	vld.idx.msk [tilespmem:v8+s11+$0x0], $0xffff  }
0x9a: {  	s0 =	sor.u32 $0x4080, s6;
	v3 =	vld [tilespmem:s30+$0x0]  }
0x9b: {  	s29 =	sor.u32 s18, s0;
	v30 =	vld.idx.msk [tilespmem:v5+s11+$0x0], $0xffff  }
0x9c: {  	s1 =	sor.u32 $0x4100, s6;
	v5 =	vld [tilespmem:s29+$0x0]  }
0x9d: {  	s31 =	sor.u32 s18, s1;
	v24 =	vld.idx.msk [tilespmem:v7+s11+$0x0], $0xffff  }
0x9e: {  	v7 =	vld [tilespmem:s31+$0x0];
	[tilespmem:$0x1FFA0] =	vst v0  }
0x9f: {  	v0 =	vld.idx.msk [tilespmem:v1+s11+$0x0], $0xffff;
	_ =	sdelay $0x2  }
0xa0: {  	s2 =	sor.u32 $0x4180, s6  }
0xa1: {  	s6 =	sor.u32 s18, s2  }
0xa2: {  	v8 =	vld [tilespmem:s6+$0x0];
	[tilespmem:$0x1FFB0] =	vst v0  }
0xa3: {  	v0 =	vld.idx.msk [tilespmem:v3+s11+$0x0], $0xffff;
	_ =	sdelay $0x2  }
0xa4: {  	v9 =	vld.idx.msk [tilespmem:v2+s11+$0x0], $0xffff  }
0xa5: {  	v10 =	vld [tilespmem:s4+$0x180]  }
0xa6: {  	v12 =	vld [tilespmem:s4+$0x200];
	[tilespmem:$0x1FFC0] =	vst v0  }
0xa7: {  	v0 =	vld.idx.msk [tilespmem:v5+s11+$0x0], $0xffff;
	_ =	sdelay $0x4  }
0xa8: {  	v18 =	vadd.f32 $0.0e+00, v18;
	[tilespmem:$0x1FFD0] =	vst v0  }
0xa9: {  	v0 =	vld.idx.msk [tilespmem:v7+s11+$0x0], $0xffff  }
0xaa: {  	v18 =	vadd.f32 v21, v18;
	_ =	sdelay $0x1  }
0xab: {  	v18 =	vadd.f32 v63, v18;
	_ =	sdelay $0x1  }
0xac: {  	v18 =	vadd.f32 v57, v18;
	v11 =	vld.idx.msk [tilespmem:v4+s11+$0x0], $0xffff;
	[tilespmem:$0x1FFE0] =	vst v0  }
0xad: {  	v0 =	vld.idx.msk [tilespmem:v8+s11+$0x0], $0xffff  }
0xae: {  	v18 =	vadd.f32 v56, v18;
	_ =	sdelay $0x1  }
0xaf: {  	v57 =	vld [tilespmem:$0x1FF30];
	v18 =	vadd.f32 v51, v18  }
0xb0: {  	v51 =	vld [tilespmem:$0x1FF50]  }
0xb1: {  	v18 =	vadd.f32 v47, v18;
	v47 =	vld [tilespmem:$0x1FF70];
	[tilespmem:$0x1FFF0] =	vst v0  }
0xb2: {  	v14 =	vld.idx.msk [tilespmem:v6+s11+$0x0], $0xffff  }
0xb3: {  	v16 =	vld.idx.msk [tilespmem:v10+s11+$0x0], $0xffff  }
0xb4: {  	v19 =	vld.idx.msk [tilespmem:v12+s11+$0x0], $0xffff  }
0xb5: {  	v4 =	vld [tilespmem:s4+$0x280]  }
0xb6: {  	v6 =	vld [tilespmem:s4+$0x300]  }
0xb7: {  	s5 =	sor.u32 s23, s5;
	v8 =	vld [tilespmem:s4+$0x380]  }
0xb8: {  	s13 =	sor.u32 s23, s13;
	v10 =	vld [tilespmem:s5+$0x0]  }
0xb9: {  	s15 =	sor.u32 s23, s15;
	v55 =	vld [tilespmem:s13+$0x0]  }
0xba: {  	s19 =	sor.u32 s23, s19;
	v13 =	vld [tilespmem:s15+$0x0]  }
0xbb: {  	s21 =	sor.u32 s23, s21;
	v46 =	vld [tilespmem:s19+$0x0]  }
0xbc: {  	s25 =	sor.u32 s23, s25;
	v49 =	vld [tilespmem:s21+$0x0]  }
0xbd: {  	s26 =	sor.u32 s23, s26;
	s19 =	simm.s32 $0x40;
	v58 =	vld [tilespmem:s25+$0x0]  }
0xbe: {  	s29 =	sor.u32 s23, s28;
	s15 =	simm.s32 $0x200;
	v53 =	vld [tilespmem:s26+$0x0];
	s21 =	sand.u32 $0x60, s19  }
0xbf: {  	s30 =	sor.u32 s20, s22;
	v1 =	vld [tilespmem:s29+$0x0];
	s13 =	sand.u32 $0x1C00, s15;
	s20 =	sor.u32 $0x10, s21  }
0xc0: {  	v50 =	vld [tilespmem:s30+$0x0];
	s31 =	sor.u32 s20, s13  }
0xc1: {  	v0 =	vld [tilespmem:s31+$0x0]  }
0xc2: {  	v2 =	vld [tilespmem:s31+$0x80]  }
0xc3: {  	v3 =	vld [tilespmem:s31+$0x100]  }
0xc4: {  	v15 =	vld.idx.msk [tilespmem:v4+s11+$0x0], $0xffff  }
0xc5: {  	v17 =	vld.idx.msk [tilespmem:v6+s11+$0x0], $0xffff  }
0xc6: {  	v8 =	vld.idx.msk [tilespmem:v8+s11+$0x0], $0xffff  }
0xc7: {  	v10 =	vld.idx.msk [tilespmem:v10+s11+$0x0], $0xffff  }
0xc8: {  	v12 =	vld.idx.msk [tilespmem:v55+s11+$0x0], $0xffff  }
0xc9: {  	v59 =	vld.idx.msk [tilespmem:v13+s11+$0x0], $0xffff  }
0xca: {  	v55 =	vld.idx.msk [tilespmem:v46+s11+$0x0], $0xffff  }
0xcb: {  	s24 =	sor.u32 s23, s24;
	v49 =	vld.idx.msk [tilespmem:v49+s11+$0x0], $0xffff  }
0xcc: {  	v13 =	vld [tilespmem:s24+$0x0]  }
0xcd: {  	v58 =	vld.idx.msk [tilespmem:v58+s11+$0x0], $0xffff  }
0xce: {  	v53 =	vld.idx.msk [tilespmem:v53+s11+$0x0], $0xffff  }
0xcf: {  	s4 =	sor.u32 $0x2000, s13;
	v46 =	vld.idx.msk [tilespmem:v1+s11+$0x0], $0xffff  }
0xd0: {  	s6 =	sor.u32 s20, s4;
	v50 =	vld.idx.msk [tilespmem:v50+s11+$0x0], $0xffff  }
0xd1: {  	v9 =	vadd.f32 $0.0e+00, v9;
	v1 =	vld [tilespmem:s6+$0x0];
	s24 =	sor.u32 s21, s13  }
0xd2: {  	v21 =	vld [tilespmem:s24+$0x200]  }
0xd3: {  	v9 =	vadd.f32 v11, v9;
	v63 =	vld [tilespmem:s24+$0x300]  }
0xd4: {  	v4 =	vld.idx.msk [tilespmem:v0+s11+$0x0], $0xffff  }
0xd5: {  	v9 =	vadd.f32 v14, v9;
	v5 =	vld.idx.msk [tilespmem:v2+s11+$0x0], $0xffff  }
0xd6: {  	v6 =	vld.idx.msk [tilespmem:v3+s11+$0x0], $0xffff  }
0xd7: {  	v9 =	vadd.f32 v16, v9;
	v0 =	vadd.f32 $0.0e+00, v39;
	v39 =	vld [tilespmem:s31+$0x200]  }
0xd8: {  	v3 =	vld [tilespmem:s31+$0x300]  }
0xd9: {  	v9 =	vadd.f32 v19, v9;
	v2 =	vld [tilespmem:s24+$0x0]  }
0xda: {  	v0 =	vadd.f32 v38, v0;
	v38 =	vld [tilespmem:s31+$0x180]  }
0xdb: {  	v9 =	vadd.f32 v15, v9;
	v13 =	vld.idx.msk [tilespmem:v13+s11+$0x0], $0xffff  }
0xdc: {  	v0 =	vadd.f32 v34, v0;
	v34 =	vld [tilespmem:s31+$0x280]  }
0xdd: {  	v9 =	vadd.f32 v17, v9;
	v7 =	vld.idx.msk [tilespmem:v1+s11+$0x0], $0xffff  }
0xde: {  	v1 =	vld [tilespmem:$0x1FEB0];
	v4 =	vadd.f32 $0.0e+00, v4  }
0xdf: {  	v8 =	vadd.f32 v8, v9;
	v0 =	vadd.f32 v31, v0;
	v31 =	vld [tilespmem:s31+$0x380]  }
0xe0: {  	s5 =	sor.u32 $0x2080, s13;
	v4 =	vadd.f32 v5, v4;
	v5 =	vld [tilespmem:s24+$0x380]  }
0xe1: {  	s25 =	sor.u32 s20, s5;
	v8 =	vadd.f32 v10, v8;
	v10 =	vld.idx.msk [tilespmem:v21+s11+$0x0], $0xffff;
	v0 =	vadd.f32 v25, v0  }
0xe2: {  	v25 =	vld [tilespmem:s25+$0x0]  }
0xe3: {  	v39 =	vld.idx.msk [tilespmem:v39+s11+$0x0], $0xffff;
	v0 =	vadd.f32 v26, v0  }
0xe4: {  	s5 =	sor.u32 s21, s5;
	v3 =	vld.idx.msk [tilespmem:v3+s11+$0x0], $0xffff  }
0xe5: {  	v4 =	vadd.f32 v6, v4;
	v6 =	vld [tilespmem:s5+$0x0];
	v0 =	vadd.f32 v28, v0  }
0xe6: {  	s0 =	sor.u32 s23, s0;
	v8 =	vadd.f32 v12, v8;
	v38 =	vld.idx.msk [tilespmem:v38+s11+$0x0], $0xffff  }
0xe7: {  	v26 =	vld [tilespmem:s0+$0x0];
	v0 =	vadd.f32 v32, v0  }
0xe8: {  	s0 =	sor.u32 $0x2100, s13;
	v8 =	vadd.f32 v59, v8;
	v59 =	vld [tilespmem:$0x1FFD0]  }
0xe9: {  	s26 =	sor.u32 s20, s0;
	s0 =	sor.u32 s21, s0;
	v28 =	vld.idx.msk [tilespmem:v34+s11+$0x0], $0xffff;
	v0 =	vadd.f32 v33, v0  }
0xea: {  	v56 =	vld [tilespmem:s0+$0x0]  }
0xeb: {  	v8 =	vadd.f32 v55, v8;
	v55 =	vld [tilespmem:$0x1FFC0];
	v0 =	vadd.f32 v29, v0  }
0xec: {  	v31 =	vld.idx.msk [tilespmem:v31+s11+$0x0], $0xffff  }
0xed: {  	v5 =	vld.idx.msk [tilespmem:v5+s11+$0x0], $0xffff;
	v20 =	vadd.f32 v20, v0  }
0xee: {  	v32 =	vld.idx.msk [tilespmem:v25+s11+$0x0], $0xffff  }
0xef: {  	v20 =	vadd.f32 v1, v20;
	v1 =	vld [tilespmem:$0x1FEC0]  }
0xf0: {  	v61 =	vadd.f32 $0.0e+00, v61;
	s1 =	sor.u32 s23, s1;
	v33 =	vld.idx.msk [tilespmem:v2+s11+$0x0], $0xffff  }
0xf1: {  	v25 =	vld [tilespmem:s1+$0x0]  }
0xf2: {  	v62 =	vadd.f32 v62, v61;
	v6 =	vld.idx.msk [tilespmem:v6+s11+$0x0], $0xffff  }
0xf3: {  	s1 =	sor.u32 $0x2180, s13;
	v29 =	vld [tilespmem:s26+$0x0]  }
0xf4: {  	s2 =	sor.u32 s23, s2;
	s23 =	sor.u32 $0x2280, s13;
	v2 =	vadd.f32 v60, v62;
	s28 =	sor.u32 s20, s1;
	v20 =	vadd.f32 v1, v20;
	v1 =	vld [tilespmem:$0x1FED0]  }
0xf5: {  	s30 =	sor.u32 s20, s23;
	v34 =	vld [tilespmem:s28+$0x0]  }
0xf6: {  	s1 =	sor.u32 s21, s1;
	v2 =	vadd.f32 v54, v2;
	v54 =	vld [tilespmem:s30+$0x0]  }
0xf7: {  	v4 =	vadd.f32 v38, v4;
	v38 =	vld [tilespmem:s1+$0x0]  }
0xf8: {  	s26 =	sor.u32 $0x2380, s13;
	v0 =	vld [tilespmem:s2+$0x0]  }
0xf9: {  	s30 =	sor.u32 s20, s26;
	s2 =	sor.u32 $0x2200, s13;
	v20 =	vadd.f32 v1, v20;
	v1 =	vld [tilespmem:$0x1FEE0]  }
0xfa: {  	s25 =	sor.u32 $0x2300, s13;
	v2 =	vadd.f32 v52, v2;
	v60 =	vld [tilespmem:s30+$0x0];
	s29 =	sor.u32 s20, s2  }
0xfb: {  	s31 =	sor.u32 s20, s25;
	v52 =	vld [tilespmem:s29+$0x0]  }
0xfc: {  	s5 =	sor.u32 s21, s2;
	v2 =	vadd.f32 v48, v2;
	v48 =	vld [tilespmem:s31+$0x0]  }
0xfd: {  	s22 =	sor.u32 $0x4180, s13;
	s28 =	sor.u32 $0x4000, s13;
	v11 =	vld [tilespmem:s5+$0x0]  }
0xfe: {  	v4 =	vadd.f32 v39, v4;
	s30 =	sor.u32 $0x4100, s13;
	s29 =	sor.u32 $0x4080, s13;
	s13 =	sor.u32 s20, s22;
	v20 =	vadd.f32 v1, v20;
	v1 =	vld [tilespmem:$0x1FEF0]  }
0xff: {  	s6 =	sor.u32 s20, s28;
	v62 =	vld [tilespmem:s13+$0x0]  }
0x100: {  	v4 =	vadd.f32 v28, v4;
	s31 =	sor.u32 s20, s29;
	v2 =	vadd.f32 v44, v2;
	v44 =	vld [tilespmem:s6+$0x0]  }
0x101: {  	s13 =	sor.u32 s21, s25;
	v61 =	vld [tilespmem:s31+$0x0]  }
0x102: {  	v4 =	vadd.f32 v3, v4;
	v14 =	vld [tilespmem:s13+$0x0]  }
0x103: {  	s25 =	sor.u32 s21, s29;
	v2 =	vadd.f32 v41, v2;
	v20 =	vadd.f32 v1, v20;
	v1 =	vld [tilespmem:$0x1FF00]  }
0x104: {  	s6 =	sor.u32 s20, s30;
	v3 =	vld [tilespmem:s25+$0x0]  }
0x105: {  	v4 =	vadd.f32 v31, v4;
	v41 =	vld [tilespmem:s6+$0x0];
	v2 =	vadd.f32 v35, v2  }
0x106: {  	v29 =	vld.idx.msk [tilespmem:v29+s11+$0x0], $0xffff  }
0x107: {  	v4 =	vadd.f32 v7, v4;
	v7 =	vld.idx.msk [tilespmem:v34+s11+$0x0], $0xffff;
	v2 =	vadd.f32 v27, v2  }
0x108: {  	v18 =	vadd.f32 v45, v18;
	v45 =	vld.idx.msk [tilespmem:v54+s11+$0x0], $0xffff;
	v20 =	vadd.f32 v1, v20  }
0x109: {  	v54 =	vld [tilespmem:$0x1FFB0];
	v2 =	vadd.f32 v22, v2  }
0x10a: {  	s6 =	sor.u32 s21, s23;
	v20 =	vadd.f32 v23, v20;
	v23 =	vld [tilespmem:$0x1FF10]  }
0x10b: {  	v39 =	vld [tilespmem:s6+$0x0];
	v2 =	vadd.f32 v36, v2  }
0x10c: {  	v35 =	vld [tilespmem:s24+$0x80]  }
0x10d: {  	v2 =	vadd.f32 v57, v2;
	v57 =	vld [tilespmem:$0x1FF40]  }
0x10e: {  	v1 =	vld [tilespmem:s24+$0x100]  }
0x10f: {  	v20 =	vadd.f32 v23, v20;
	v23 =	vld [tilespmem:$0x1FF20]  }
0x110: {  	s23 =	sor.u32 s21, s26;
	v27 =	vld [tilespmem:s24+$0x180]  }
0x111: {  	v28 =	vld [tilespmem:s23+$0x0]  }
0x112: {  	v18 =	vadd.f32 v43, v18;
	v2 =	vadd.f32 v57, v2;
	v57 =	vld [tilespmem:$0x1FF60]  }
0x113: {  	v22 =	vld [tilespmem:s24+$0x280]  }
0x114: {  	v18 =	vadd.f32 v42, v18;
	v20 =	vadd.f32 v23, v20;
	v23 =	vld.idx.msk [tilespmem:v35+s11+$0x0], $0xffff  }
0x115: {  	v4 =	vadd.f32 v32, v4;
	v42 =	vld.idx.msk [tilespmem:v52+s11+$0x0], $0xffff;
	v2 =	vadd.f32 v51, v2  }
0x116: {  	v43 =	vadd.f32 $0.0e+00, v33;
	v1 =	vld.idx.msk [tilespmem:v1+s11+$0x0], $0xffff  }
0x117: {  	v4 =	vadd.f32 v29, v4;
	v2 =	vadd.f32 v57, v2;
	v57 =	vld [tilespmem:$0x1FF80]  }
0x118: {  	v18 =	vadd.f32 v40, v18;
	v9 =	vld.idx.msk [tilespmem:v27+s11+$0x0], $0xffff  }
0x119: {  	s4 =	sor.u32 s21, s4;
	v4 =	vadd.f32 v7, v4;
	v7 =	vld.idx.msk [tilespmem:v48+s11+$0x0], $0xffff;
	v15 =	vadd.f32 v23, v43  }
0x11a: {  	v36 =	vld [tilespmem:s4+$0x0];
	v51 =	vadd.f32 v47, v2  }
0x11b: {  	v18 =	vadd.f32 v37, v18;
	v48 =	vld.idx.msk [tilespmem:v22+s11+$0x0], $0xffff;
	v1 =	vadd.f32 v1, v15  }
0x11c: {  	v4 =	vadd.f32 v42, v4;
	v19 =	vadd.f32 v57, v51;
	v51 =	vld [tilespmem:$0x1FFA0]  }
0x11d: {  	v18 =	vadd.f32 v30, v18;
	v1 =	vadd.f32 v9, v1;
	v9 =	vld.idx.msk [tilespmem:v60+s11+$0x0], $0xffff  }
0x11e: {  	v52 =	vld.idx.msk [tilespmem:v63+s11+$0x0], $0xffff;
	v4 =	vadd.f32 v45, v4  }
0x11f: {  	v47 =	vadd.f32 v24, v18;
	v1 =	vadd.f32 v10, v1;
	v10 =	vld.idx.msk [tilespmem:v44+s11+$0x0], $0xffff  }
0x120: {  	v11 =	vld.idx.msk [tilespmem:v11+s11+$0x0], $0xffff;
	v4 =	vadd.f32 v7, v4  }
0x121: {  	v7 =	vld.idx.msk [tilespmem:v61+s11+$0x0], $0xffff;
	v15 =	vadd.f32 v51, v47  }
0x122: {  	v57 =	vld.idx.msk [tilespmem:v36+s11+$0x0], $0xffff;
	v1 =	vadd.f32 v48, v1;
	v4 =	vadd.f32 v9, v4  }
0x123: {  	v8 =	vadd.f32 v49, v8;
	v35 =	vld [tilespmem:$0x1FF90];
	v15 =	vadd.f32 v54, v15  }
0x124: {  	v1 =	vadd.f32 v52, v1;
	v4 =	vadd.f32 v10, v4;
	v10 =	vld [tilespmem:$0x1FFE0]  }
0x125: {  	v8 =	vadd.f32 v13, v8;
	v61 =	vld.idx.msk [tilespmem:v26+s11+$0x0], $0xffff;
	v12 =	vadd.f32 v55, v15  }
0x126: {  	v1 =	vadd.f32 v5, v1;
	v4 =	vadd.f32 v7, v4;
	v7 =	vld [tilespmem:$0x1FFF0]  }
0x127: {  	v12 =	vadd.f32 v59, v12;
	v9 =	vld.idx.msk [tilespmem:v41+s11+$0x0], $0xffff  }
0x128: {  	v8 =	vadd.f32 v58, v8;
	v60 =	vld.idx.msk [tilespmem:v56+s11+$0x0], $0xffff;
	v1 =	vadd.f32 v57, v1  }
0x129: {  	s24 =	sor.u32 s21, s28;
	v19 =	vadd.f32 v35, v19;
	v5 =	vld.idx.msk [tilespmem:v62+s11+$0x0], $0xffff;
	v10 =	vadd.f32 v10, v12  }
0x12a: {  	v8 =	vadd.f32 v53, v8;
	v16 =	vld [tilespmem:s24+$0x0];
	v1 =	vadd.f32 v6, v1  }
0x12b: {  	s26 =	sor.u32 s21, s30;
	v6 =	vadd.f32 v50, v19;
	v7 =	vadd.f32 v7, v10;
	v10 =	vld.idx.msk [tilespmem:v38+s11+$0x0], $0xffff  }
0x12c: {  	v2 =	vld [tilespmem:s26+$0x0];
	v9 =	vadd.f32 v9, v4  }
0x12d: {  	v8 =	vadd.f32 v46, v8;
	s28 =	sor.u32 s21, s22;
	v62 =	vld.idx.msk [tilespmem:v25+s11+$0x0], $0xffff;
	v6 =	vmul.f32 $5.000000070e-02, v6  }
0x12e: {  	s30 =	sand.u32 $0x380, s17;
	v4 =	vld [tilespmem:s28+$0x0];
	v5 =	vadd.f32 v5, v9;
	v1 =	vadd.f32 v60, v1;
	v9 =	vmul.f32 $5.000000070e-02, v7  }
0x12f: {  	s29 =	sand.u32 $0x380, s3;
	s0 =	sor.u32 s18, s30;
	v63 =	vmul.f32 $5.000000070e-02, v20;
	v7 =	vld.idx.msk [tilespmem:v39+s11+$0x0], $0xffff;
	[tilespmem:s7+$0x0] =	vst v6  }
0x130: {  	s1 =	sor.u32 s16, s29;
	s31 =	sand.u32 $0x380, s19;
	v5 =	vmul.f32 $5.000000070e-02, v5;
	v6 =	vld.idx.msk [tilespmem:v28+s11+$0x0], $0xffff;
	[tilespmem:s0+$0x1E700] =	vst v9;
	v9 =	vadd.f32 v61, v8;
	v10 =	vadd.f32 v10, v1  }
0x131: {  	[tilespmem:s1+$0x1E700] =	vst v63;
	v8 =	vld.idx.msk [tilespmem:v14+s11+$0x0], $0xffff;
	s0 =	sor.u32 s20, s31  }
0x132: {  	s16 =	simm.s32 $0x1E700;
	s17 =	simm.s32 $0x4;
	s18 =	simm.s32 $0x60;
	[tilespmem:s0+$0x1E700] =	vst v5;
	v5 =	vld.idx.msk [tilespmem:v16+s11+$0x0], $0xffff;
	v1 =	vadd.f32 v62, v9;
	v9 =	vadd.f32 v11, v10  }
.LBB2_2:
0x133: {  	s21 =	sand.u32 $0x60, s18;
	s17 =	sadd.s32 $0x2, s17;
	s15 =	sadd.s32 $0x100, s15;
	v10 =	vld.idx.msk [tilespmem:v0+s11+$0x0], $0xffff  }
0x134: {  	s22 =	sand.u32 $0x1C00, s15;
	s19 =	sor.u32 $0x10, s21;
	p0 =	slt.u32 s17, $0x3E;
	v7 =	vadd.f32 v7, v9;
	v9 =	vld.idx.msk [tilespmem:v3+s11+$0x0], $0xffff;
	v0 =	vmov v4  }
0x135: {  	s20 =	sor.u32 s21, s22;
	s0 =	sor.u32 s19, s22;
	v11 =	vld.idx.msk [tilespmem:v2+s11+$0x0], $0xffff  }
0x136: {  	v12 =	vld [tilespmem:s0+$0x0];
	v2 =	vadd.f32 v8, v7  }
0x137: {  	v4 =	vld [tilespmem:s20+$0x0]  }
0x138: {  	v7 =	vld [tilespmem:s0+$0x80];
	v2 =	vadd.f32 v6, v2  }
0x139: {  	v1 =	vadd.f32 v10, v1;
	v3 =	vld [tilespmem:s20+$0x80]  }
0x13a: {  	v6 =	vld [tilespmem:s0+$0x100];
	v5 =	vadd.f32 v5, v2  }
0x13b: {  	v1 =	vmul.f32 $5.000000070e-02, v1;
	v2 =	vld [tilespmem:s20+$0x100]  }
0x13c: {  	s16 =	sadd.s32 $0x20, s16;
	v8 =	vld [tilespmem:s0+$0x180];
	v5 =	vadd.f32 v9, v5  }
0x13d: {  	v9 =	vld [tilespmem:s0+$0x200];
	[tilespmem:s16+$0x0] =	vst v1  }
0x13e: {  	v10 =	vld.idx.msk [tilespmem:v12+s11+$0x0], $0xffff;
	v1 =	vadd.f32 v11, v5  }
0x13f: {  	v5 =	vld [tilespmem:s0+$0x280]  }
0x140: {  	v7 =	vld.idx.msk [tilespmem:v7+s11+$0x0], $0xffff  }
0x141: {  	v11 =	vld [tilespmem:s0+$0x300]  }
0x142: {  	v6 =	vld.idx.msk [tilespmem:v6+s11+$0x0], $0xffff  }
0x143: {  	s1 =	sor.u32 $0x2000, s22;
	v12 =	vld [tilespmem:s0+$0x380]  }
0x144: {  	s23 =	sor.u32 s21, s1;
	v10 =	vadd.f32 $0.0e+00, v10;
	s0 =	sor.u32 s19, s1;
	v8 =	vld.idx.msk [tilespmem:v8+s11+$0x0], $0xffff  }
0x145: {  	s1 =	sor.u32 $0x2080, s22;
	v13 =	vld [tilespmem:s0+$0x0]  }
0x146: {  	s0 =	sor.u32 s21, s1;
	v7 =	vadd.f32 v7, v10;
	s1 =	sor.u32 s19, s1;
	v9 =	vld.idx.msk [tilespmem:v9+s11+$0x0], $0xffff  }
0x147: {  	s2 =	sor.u32 $0x2100, s22;
	v10 =	vld [tilespmem:s1+$0x0]  }
0x148: {  	s1 =	sor.u32 s21, s2;
	v6 =	vadd.f32 v6, v7;
	s2 =	sor.u32 s19, s2;
	v5 =	vld.idx.msk [tilespmem:v5+s11+$0x0], $0xffff  }
0x149: {  	s4 =	sor.u32 $0x2180, s22;
	v7 =	vld [tilespmem:s2+$0x0]  }
0x14a: {  	s24 =	sor.u32 s21, s4;
	v6 =	vadd.f32 v8, v6;
	s2 =	sor.u32 s19, s4;
	v8 =	vld.idx.msk [tilespmem:v11+s11+$0x0], $0xffff  }
0x14b: {  	s4 =	sor.u32 $0x2200, s22;
	v11 =	vld [tilespmem:s2+$0x0]  }
0x14c: {  	s2 =	sor.u32 s21, s4;
	v6 =	vadd.f32 v9, v6;
	s4 =	sor.u32 s19, s4;
	v9 =	vld.idx.msk [tilespmem:v12+s11+$0x0], $0xffff  }
0x14d: {  	s5 =	sor.u32 $0x2280, s22;
	v12 =	vld [tilespmem:s4+$0x0]  }
0x14e: {  	s13 =	sor.u32 s21, s5;
	v5 =	vadd.f32 v5, v6;
	s4 =	sor.u32 s19, s5;
	v6 =	vld.idx.msk [tilespmem:v13+s11+$0x0], $0xffff  }
0x14f: {  	s5 =	sor.u32 $0x2300, s22;
	v13 =	vld [tilespmem:s4+$0x0]  }
0x150: {  	s25 =	sor.u32 s21, s5;
	v5 =	vadd.f32 v8, v5;
	s4 =	sor.u32 s19, s5;
	v8 =	vld.idx.msk [tilespmem:v10+s11+$0x0], $0xffff  }
0x151: {  	s5 =	sor.u32 $0x2380, s22;
	v10 =	vld [tilespmem:s4+$0x0]  }
0x152: {  	s26 =	sor.u32 s21, s5;
	v5 =	vadd.f32 v9, v5;
	s4 =	sor.u32 s19, s5;
	v7 =	vld.idx.msk [tilespmem:v7+s11+$0x0], $0xffff  }
0x153: {  	s5 =	sor.u32 $0x4000, s22;
	v9 =	vld [tilespmem:s4+$0x0]  }
0x154: {  	s28 =	sor.u32 s21, s5;
	v5 =	vadd.f32 v6, v5;
	s4 =	sor.u32 s19, s5;
	v6 =	vld.idx.msk [tilespmem:v11+s11+$0x0], $0xffff  }
0x155: {  	s5 =	sor.u32 $0x4080, s22;
	v11 =	vld [tilespmem:s4+$0x0]  }
0x156: {  	s29 =	sor.u32 s21, s5;
	v5 =	vadd.f32 v8, v5;
	s4 =	sor.u32 s19, s5;
	v8 =	vld.idx.msk [tilespmem:v12+s11+$0x0], $0xffff  }
0x157: {  	s5 =	sor.u32 $0x4100, s22;
	v12 =	vld [tilespmem:s4+$0x0]  }
0x158: {  	s30 =	sor.u32 s21, s5;
	v5 =	vadd.f32 v7, v5;
	s4 =	sor.u32 s19, s5;
	v7 =	vld.idx.msk [tilespmem:v13+s11+$0x0], $0xffff  }
0x159: {  	s5 =	sor.u32 $0x4180, s22;
	v13 =	vld [tilespmem:s4+$0x0]  }
0x15a: {  	s21 =	sor.u32 s21, s5;
	v5 =	vadd.f32 v6, v5;
	s4 =	sor.u32 s19, s5;
	v6 =	vld.idx.msk [tilespmem:v10+s11+$0x0], $0xffff  }
0x15b: {  	v10 =	vld [tilespmem:s4+$0x0]  }
0x15c: {  	v5 =	vadd.f32 v8, v5;
	v8 =	vld.idx.msk [tilespmem:v9+s11+$0x0], $0xffff  }
0x15d: {  	v4 =	vld.idx.msk [tilespmem:v4+s11+$0x0], $0xffff  }
0x15e: {  	v5 =	vadd.f32 v7, v5;
	v7 =	vld.idx.msk [tilespmem:v11+s11+$0x0], $0xffff  }
0x15f: {  	v9 =	vld [tilespmem:s20+$0x180]  }
0x160: {  	v5 =	vadd.f32 v6, v5;
	v6 =	vld.idx.msk [tilespmem:v12+s11+$0x0], $0xffff  }
0x161: {  	v3 =	vld.idx.msk [tilespmem:v3+s11+$0x0], $0xffff  }
0x162: {  	v5 =	vadd.f32 v8, v5;
	v8 =	vld.idx.msk [tilespmem:v13+s11+$0x0], $0xffff  }
0x163: {  	v4 =	vadd.f32 $0.0e+00, v4;
	v11 =	vld [tilespmem:s20+$0x200]  }
0x164: {  	v5 =	vadd.f32 v7, v5;
	v7 =	vld.idx.msk [tilespmem:v10+s11+$0x0], $0xffff  }
0x165: {  	v2 =	vld.idx.msk [tilespmem:v2+s11+$0x0], $0xffff  }
0x166: {  	v5 =	vadd.f32 v6, v5;
	v10 =	vld [tilespmem:s20+$0x280]  }
0x167: {  	v3 =	vadd.f32 v3, v4;
	v4 =	vld.idx.msk [tilespmem:v9+s11+$0x0], $0xffff  }
0x168: {  	v5 =	vadd.f32 v8, v5;
	v6 =	vld [tilespmem:s20+$0x300]  }
0x169: {  	v8 =	vld [tilespmem:s20+$0x380]  }
0x16a: {  	v5 =	vadd.f32 v7, v5;
	v9 =	vld [tilespmem:s23+$0x0]  }
0x16b: {  	v2 =	vadd.f32 v2, v3;
	v3 =	vld.idx.msk [tilespmem:v11+s11+$0x0], $0xffff  }
0x16c: {  	v5 =	vmul.f32 $5.000000070e-02, v5;
	v7 =	vld [tilespmem:s0+$0x0];
	s0 =	sand.u32 $0x380, s18  }
0x16d: {  	v2 =	vadd.f32 v4, v2;
	v4 =	vld [tilespmem:s1+$0x0];
	s0 =	sor.u32 s19, s0  }
0x16e: {  	v10 =	vld.idx.msk [tilespmem:v10+s11+$0x0], $0xffff;
	[tilespmem:s0+$0x1E700] =	vst v5  }
0x16f: {  	v5 =	vld [tilespmem:s24+$0x0]  }
0x170: {  	v6 =	vld.idx.msk [tilespmem:v6+s11+$0x0], $0xffff  }
0x171: {  	v2 =	vadd.f32 v3, v2;
	v3 =	vld.idx.msk [tilespmem:v8+s11+$0x0], $0xffff  }
0x172: {  	v8 =	vld.idx.msk [tilespmem:v9+s11+$0x0], $0xffff  }
0x173: {  	v9 =	vld [tilespmem:s2+$0x0]  }
0x174: {  	v2 =	vadd.f32 v10, v2;
	v7 =	vld.idx.msk [tilespmem:v7+s11+$0x0], $0xffff  }
0x175: {  	v4 =	vld.idx.msk [tilespmem:v4+s11+$0x0], $0xffff  }
0x176: {  	v2 =	vadd.f32 v6, v2;
	v6 =	vld [tilespmem:s13+$0x0]  }
0x177: {  	v5 =	vld.idx.msk [tilespmem:v5+s11+$0x0], $0xffff  }
0x178: {  	v2 =	vadd.f32 v3, v2;
	v10 =	vld [tilespmem:s25+$0x0]  }
0x179: {  	v11 =	vld [tilespmem:s26+$0x0]  }
0x17a: {  	v2 =	vadd.f32 v8, v2;
	v12 =	vld [tilespmem:s28+$0x0]  }
0x17b: {  	v9 =	vld.idx.msk [tilespmem:v9+s11+$0x0], $0xffff  }
0x17c: {  	v7 =	vadd.f32 v7, v2;
	v3 =	vld [tilespmem:s29+$0x0]  }
0x17d: {  	v2 =	vld [tilespmem:s30+$0x0]  }
.Ltmp0:
0x17e: {  	v8 =	vadd.f32 v4, v7;
	v7 =	vld.idx.msk [tilespmem:v6+s11+$0x0], $0xffff;
	(pc) =	sbr.rel @p0 .LBB2_2-.Ltmp0, $4  }
0x17f: {  	v4 =	vld [tilespmem:s21+$0x0]  }
0x180: {  	v5 =	vadd.f32 v5, v8;
	v8 =	vld.idx.msk [tilespmem:v10+s11+$0x0], $0xffff  }
0x181: {  	v6 =	vld.idx.msk [tilespmem:v11+s11+$0x0], $0xffff  }
0x182: {  	s18 =	sadd.s32 $0x20, s18;
	v9 =	vadd.f32 v9, v5;
	v5 =	vld.idx.msk [tilespmem:v12+s11+$0x0], $0xffff  }
0x183: {  	_ = 	snop  }
0x184: {  	v7 =	vadd.f32 v7, v9;
	_ =	sdelay $0x1  }
0x185: {  	v7 =	vadd.f32 v8, v7  }
0x186: {  	v3 =	vld.idx.msk [tilespmem:v3+s11+$0x0], $0xffff  }
0x187: {  	v6 =	vadd.f32 v6, v7  }
0x188: {  	v2 =	vld.idx.msk [tilespmem:v2+s11+$0x0], $0xffff  }
0x189: {  	v0 =	vld.idx.msk [tilespmem:v0+s11+$0x0], $0xffff;
	v5 =	vadd.f32 v5, v6  }
0x18a: {  	v4 =	vld.idx.msk [tilespmem:v4+s11+$0x0], $0xffff  }
0x18b: {  	v3 =	vadd.f32 v3, v5;
	_ =	sdelay $0x1  }
0x18c: {  	v2 =	vadd.f32 v2, v3  }
0x18d: {  	v0 =	vadd.f32 v0, v1  }
0x18e: {  	v1 =	vadd.f32 v4, v2  }
0x18f: {  	v0 =	vmul.f32 $5.000000070e-02, v0  }
0x190: {  	s0 =	sadd.s32 $0x20, s16;
	v1 =	vmul.f32 $5.000000070e-02, v1  }
0x191: {  	[tilespmem:s0+$0x0] =	vst v0;
	s0 =	sadd.s32 $0x20, s0  }
0x192: {  	[tilespmem:s0+$0x0] =	vst v1  }
0x193: {  	s15 =	simm.s32 $0x1E700;
	s0 =	rddreg [dreg:$0x5]  }
0x194: {  	[hbm4b:s0+s9] =	stream.strided.scatter [tilespmem:s15], [sflag:$0x1], $0x400, s10, s9, $0x38;
	[tilespmem:$0x1EB00] =	vst v63  }
0x195: {  	s6 =	rddreg [dreg:$0x6]  }
0x196: {  	[tilespmem:s11], [sflag:$0x1] =	stream.strided.gather [hbm4b:s6+s9], $0x18700, s10, s9, $0x38;
	[tilespmem:$0x1EB00] =	vst v63  }
0x197: {  	_ =	swait.ge [sflag:s12], $0x400  }
0x198: {  	[sflag:s12] =	ssyncset.done $0x0  }
0x199: {  	s17 =	simm.s32 $0x0;
	[sflag:s12] =	ssyncadd.s32 $0xFFFFFC00  }
0x19a: {  	s16 =	sand.u32 $0x60, s17;
	_ =	swait.ge [sflag:s12], $0x18700  }
0x19b: {  	s1 =	sand.u32 $0x1C00, s17;
	s18 =	sor.u32 $0x10, s16;
	[sflag:s12] =	ssyncset.done $0x0  }
0x19c: {  	s2 =	sor.u32 s18, s1;
	[sflag:s12] =	ssyncadd.s32 $0xFFFE7900  }
0x19d: {  	s7 =	sor.u32 s16, s1;
	v0 =	vld [tilespmem:s2+$0x0]  }
0x19e: {  	v1 =	vld [tilespmem:s7+$0x0]  }
0x19f: {  	v2 =	vld [tilespmem:s2+$0x80]  }
0x1a0: {  	v3 =	vld [tilespmem:s7+$0x80]  }
0x1a1: {  	v7 =	vld [tilespmem:s2+$0x200]  }
0x1a2: {  	v4 =	vld [tilespmem:s2+$0x100]  }
0x1a3: {  	v5 =	vld [tilespmem:s7+$0x100]  }
0x1a4: {  	v6 =	vld [tilespmem:s2+$0x180]  }
0x1a5: {  	v31 =	vld.idx.msk [tilespmem:v0+s11+$0x0], $0xffff  }
0x1a6: {  	v0 =	vld [tilespmem:s2+$0x280]  }
0x1a7: {  	v27 =	vld.idx.msk [tilespmem:v2+s11+$0x0], $0xffff  }
0x1a8: {  	s5 =	sor.u32 $0x2080, s1;
	v2 =	vld [tilespmem:s2+$0x300]  }
0x1a9: {  	s21 =	sor.u32 s18, s5;
	v28 =	vld.idx.msk [tilespmem:v7+s11+$0x0], $0xffff  }
0x1aa: {  	v7 =	vld [tilespmem:s21+$0x0]  }
0x1ab: {  	v25 =	vld.idx.msk [tilespmem:v4+s11+$0x0], $0xffff  }
0x1ac: {  	s4 =	sor.u32 $0x2000, s1;
	v4 =	vld [tilespmem:s2+$0x380]  }
0x1ad: {  	s20 =	sor.u32 s18, s4;
	v26 =	vld.idx.msk [tilespmem:v6+s11+$0x0], $0xffff  }
0x1ae: {  	s6 =	sor.u32 $0x2100, s1;
	v6 =	vld [tilespmem:s20+$0x0]  }
0x1af: {  	s22 =	sor.u32 s18, s6;
	v32 =	vld.idx.msk [tilespmem:v0+s11+$0x0], $0xffff  }
0x1b0: {  	v0 =	vld [tilespmem:s22+$0x0]  }
0x1b1: {  	s13 =	sor.u32 $0x2180, s1;
	v34 =	vld.idx.msk [tilespmem:v2+s11+$0x0], $0xffff  }
0x1b2: {  	s23 =	sor.u32 s18, s13;
	v7 =	vld.idx.msk [tilespmem:v7+s11+$0x0], $0xffff  }
0x1b3: {  	s19 =	sor.u32 $0x2200, s1;
	v2 =	vld [tilespmem:s23+$0x0]  }
0x1b4: {  	s24 =	sor.u32 s18, s19;
	v29 =	vld.idx.msk [tilespmem:v4+s11+$0x0], $0xffff  }
0x1b5: {  	s20 =	sor.u32 $0x2280, s1;
	v4 =	vld [tilespmem:s24+$0x0]  }
0x1b6: {  	s25 =	sor.u32 s18, s20;
	v22 =	vld.idx.msk [tilespmem:v6+s11+$0x0], $0xffff  }
0x1b7: {  	v6 =	vld [tilespmem:s25+$0x0];
	[tilespmem:$0x1FD70] =	vst v7  }
0x1b8: {  	v0 =	vld.idx.msk [tilespmem:v0+s11+$0x0], $0xffff;
	_ =	sdelay $0x2  }
0x1b9: {  	s22 =	sor.u32 $0x2300, s1  }
0x1ba: {  	s26 =	sor.u32 s18, s22  }
0x1bb: {  	v7 =	vld [tilespmem:s26+$0x0];
	[tilespmem:$0x1FD80] =	vst v0  }
0x1bc: {  	v0 =	vld.idx.msk [tilespmem:v2+s11+$0x0], $0xffff;
	_ =	sdelay $0x2  }
0x1bd: {  	s23 =	sor.u32 $0x2380, s1  }
0x1be: {  	s28 =	sor.u32 s18, s23  }
0x1bf: {  	v8 =	vld [tilespmem:s28+$0x0];
	[tilespmem:$0x1FD90] =	vst v0  }
0x1c0: {  	v0 =	vld.idx.msk [tilespmem:v4+s11+$0x0], $0xffff;
	_ =	sdelay $0x2  }
0x1c1: {  	s24 =	sor.u32 $0x4000, s1  }
0x1c2: {  	s29 =	sor.u32 s18, s24  }
0x1c3: {  	v2 =	vld [tilespmem:s29+$0x0];
	[tilespmem:$0x1FDA0] =	vst v0  }
0x1c4: {  	v0 =	vld.idx.msk [tilespmem:v6+s11+$0x0], $0xffff;
	_ =	sdelay $0x2  }
0x1c5: {  	s25 =	sor.u32 $0x4080, s1  }
0x1c6: {  	s30 =	sor.u32 s18, s25  }
0x1c7: {  	v4 =	vld [tilespmem:s30+$0x0];
	[tilespmem:$0x1FDB0] =	vst v0  }
0x1c8: {  	v0 =	vld.idx.msk [tilespmem:v7+s11+$0x0], $0xffff;
	_ =	sdelay $0x2  }
0x1c9: {  	s26 =	sor.u32 $0x4100, s1  }
0x1ca: {  	s31 =	sor.u32 s18, s26  }
0x1cb: {  	v6 =	vld [tilespmem:s31+$0x0];
	[tilespmem:$0x1FDC0] =	vst v0  }
0x1cc: {  	v0 =	vld.idx.msk [tilespmem:v8+s11+$0x0], $0xffff;
	_ =	sdelay $0x2  }
0x1cd: {  	s21 =	sor.u32 $0x4180, s1  }
0x1ce: {  	s1 =	sor.u32 s18, s21  }
0x1cf: {  	v7 =	vld [tilespmem:s1+$0x0];
	[tilespmem:$0x1FDD0] =	vst v0  }
0x1d0: {  	v0 =	vld.idx.msk [tilespmem:v2+s11+$0x0], $0xffff;
	_ =	sdelay $0x4  }
0x1d1: {  	v60 =	vld.idx.msk [tilespmem:v1+s11+$0x0], $0xffff;
	[tilespmem:$0x1FDE0] =	vst v0  }
0x1d2: {  	v0 =	vld.idx.msk [tilespmem:v4+s11+$0x0], $0xffff;
	_ =	sdelay $0x4  }
0x1d3: {  	v1 =	vld [tilespmem:s7+$0x180];
	[tilespmem:$0x1FDF0] =	vst v0  }
0x1d4: {  	v0 =	vld.idx.msk [tilespmem:v6+s11+$0x0], $0xffff;
	_ =	sdelay $0x4  }
0x1d5: {  	v55 =	vld.idx.msk [tilespmem:v3+s11+$0x0], $0xffff;
	[tilespmem:$0x1FE00] =	vst v0  }
0x1d6: {  	v2 =	vld [tilespmem:s7+$0x200]  }
0x1d7: {  	v0 =	vld.idx.msk [tilespmem:v7+s11+$0x0], $0xffff;
	_ =	sdelay $0x4  }
0x1d8: {  	[tilespmem:$0x1FE10] =	vst v0  }
0x1d9: {  	v51 =	vld.idx.msk [tilespmem:v5+s11+$0x0], $0xffff  }
0x1da: {  	v3 =	vld [tilespmem:s7+$0x280]  }
0x1db: {  	s5 =	sor.u32 s16, s5;
	v52 =	vld.idx.msk [tilespmem:v2+s11+$0x0], $0xffff  }
0x1dc: {  	v2 =	vld [tilespmem:s5+$0x0]  }
0x1dd: {  	v47 =	vld.idx.msk [tilespmem:v1+s11+$0x0], $0xffff  }
0x1de: {  	v1 =	vld [tilespmem:s7+$0x300]  }
0x1df: {  	s4 =	sor.u32 s16, s4;
	v4 =	vld [tilespmem:s7+$0x380]  }
0x1e0: {  	s2 =	sor.u32 s16, s25;
	v5 =	vld [tilespmem:s4+$0x0]  }
0x1e1: {  	s7 =	sor.u32 s16, s6;
	v7 =	vld [tilespmem:s2+$0x0]  }
0x1e2: {  	s4 =	sor.u32 s16, s26;
	v6 =	vld [tilespmem:s7+$0x0]  }
0x1e3: {  	v8 =	vld [tilespmem:s4+$0x0]  }
0x1e4: {  	s28 =	sor.u32 s16, s20;
	v30 =	vld.idx.msk [tilespmem:v2+s11+$0x0], $0xffff  }
0x1e5: {  	v2 =	vld [tilespmem:s28+$0x0]  }
0x1e6: {  	s13 =	sor.u32 s16, s13;
	v54 =	vld.idx.msk [tilespmem:v3+s11+$0x0], $0xffff  }
0x1e7: {  	v3 =	vld [tilespmem:s13+$0x0]  }
0x1e8: {  	v49 =	vld.idx.msk [tilespmem:v1+s11+$0x0], $0xffff  }
0x1e9: {  	s19 =	sor.u32 s16, s19;
	v41 =	vld.idx.msk [tilespmem:v4+s11+$0x0], $0xffff  }
0x1ea: {  	s29 =	sor.u32 s16, s22;
	v1 =	vld [tilespmem:s19+$0x0]  }
0x1eb: {  	v4 =	vld [tilespmem:s29+$0x0]  }
0x1ec: {  	v38 =	vld.idx.msk [tilespmem:v5+s11+$0x0], $0xffff  }
0x1ed: {  	s30 =	sor.u32 s16, s23;
	v0 =	vld.idx.msk [tilespmem:v2+s11+$0x0], $0xffff  }
0x1ee: {  	v5 =	vld [tilespmem:s30+$0x0]  }
0x1ef: {  	s31 =	sor.u32 s16, s24;
	v21 =	vld.idx.msk [tilespmem:v6+s11+$0x0], $0xffff  }
0x1f0: {  	v6 =	vld [tilespmem:s31+$0x0]  }
0x1f1: {  	v33 =	vld.idx.msk [tilespmem:v3+s11+$0x0], $0xffff  }
0x1f2: {  	v23 =	vld.idx.msk [tilespmem:v1+s11+$0x0], $0xffff;
	[tilespmem:$0x1FE20] =	vst v0  }
0x1f3: {  	v0 =	vld.idx.msk [tilespmem:v4+s11+$0x0], $0xffff;
	_ =	sdelay $0x4  }
0x1f4: {  	[tilespmem:$0x1FE30] =	vst v0  }
0x1f5: {  	v0 =	vld.idx.msk [tilespmem:v5+s11+$0x0], $0xffff;
	_ =	sdelay $0x4  }
0x1f6: {  	[tilespmem:$0x1FE40] =	vst v0  }
0x1f7: {  	v0 =	vld.idx.msk [tilespmem:v6+s11+$0x0], $0xffff;
	_ =	sdelay $0x4  }
0x1f8: {  	[tilespmem:$0x1FE50] =	vst v0  }
0x1f9: {  	v0 =	vld.idx.msk [tilespmem:v7+s11+$0x0], $0xffff;
	_ =	sdelay $0x4  }
0x1fa: {  	[tilespmem:$0x1FE60] =	vst v0  }
0x1fb: {  	v0 =	vld.idx.msk [tilespmem:v8+s11+$0x0], $0xffff;
	_ =	sdelay $0x1  }
0x1fc: {  	s19 =	simm.s32 $0x20  }
0x1fd: {  	s5 =	simm.s32 $0x100;
	s24 =	sand.u32 $0x60, s19  }
0x1fe: {  	s0 =	sand.u32 $0x1C00, s5;
	s20 =	sor.u32 $0x10, s24  }
0x1ff: {  	s6 =	sor.u32 s20, s0;
	[tilespmem:$0x1FE70] =	vst v0  }
0x200: {  	s1 =	sor.u32 s24, s0;
	v1 =	vld [tilespmem:s6+$0x0]  }
0x201: {  	v2 =	vld [tilespmem:s1+$0x0]  }
0x202: {  	v5 =	vld [tilespmem:s6+$0x100]  }
0x203: {  	v3 =	vld [tilespmem:s6+$0x80]  }
0x204: {  	v4 =	vld [tilespmem:s1+$0x80]  }
0x205: {  	v6 =	vld [tilespmem:s1+$0x100]  }
0x206: {  	v7 =	vld [tilespmem:s6+$0x180]  }
0x207: {  	v8 =	vld [tilespmem:s6+$0x200]  }
0x208: {  	v17 =	vld.idx.msk [tilespmem:v1+s11+$0x0], $0xffff  }
0x209: {  	v1 =	vld [tilespmem:s6+$0x280]  }
0x20a: {  	v61 =	vld.idx.msk [tilespmem:v5+s11+$0x0], $0xffff  }
0x20b: {  	v5 =	vld [tilespmem:s6+$0x380]  }
0x20c: {  	v19 =	vld.idx.msk [tilespmem:v3+s11+$0x0], $0xffff  }
0x20d: {  	s4 =	sor.u32 $0x2000, s0;
	v3 =	vld [tilespmem:s6+$0x300]  }
0x20e: {  	s7 =	sor.u32 s20, s4;
	v58 =	vld.idx.msk [tilespmem:v7+s11+$0x0], $0xffff  }
0x20f: {  	v7 =	vld [tilespmem:s7+$0x0]  }
0x210: {  	s2 =	sor.u32 $0x2100, s0;
	v57 =	vld.idx.msk [tilespmem:v8+s11+$0x0], $0xffff  }
0x211: {  	s22 =	sor.u32 s20, s2;
	v56 =	vld.idx.msk [tilespmem:v1+s11+$0x0], $0xffff  }
0x212: {  	v1 =	vld [tilespmem:s22+$0x0];
	s22 =	sor.u32 $0x2200, s0  }
0x213: {  	s5 =	sor.u32 $0x2080, s0;
	v48 =	vld.idx.msk [tilespmem:v5+s11+$0x0], $0xffff;
	s25 =	sor.u32 s20, s22  }
0x214: {  	s13 =	sor.u32 s20, s5;
	v5 =	vld [tilespmem:s25+$0x0]  }
0x215: {  	v8 =	vld [tilespmem:s13+$0x0];
	s13 =	sor.u32 $0x2180, s0  }
0x216: {  	s23 =	sor.u32 s20, s13;
	v53 =	vld.idx.msk [tilespmem:v3+s11+$0x0], $0xffff  }
0x217: {  	v3 =	vld [tilespmem:s23+$0x0];
	s23 =	sor.u32 $0x2280, s0  }
0x218: {  	v46 =	vld.idx.msk [tilespmem:v7+s11+$0x0], $0xffff;
	s26 =	sor.u32 s20, s23  }
0x219: {  	v7 =	vld [tilespmem:s26+$0x0];
	s26 =	sor.u32 $0x2380, s0  }
0x21a: {  	s29 =	sor.u32 s20, s26;
	v42 =	vld.idx.msk [tilespmem:v1+s11+$0x0], $0xffff  }
0x21b: {  	v1 =	vld [tilespmem:s29+$0x0];
	s29 =	sor.u32 $0x4080, s0  }
0x21c: {  	s31 =	sor.u32 s20, s29;
	v39 =	vld.idx.msk [tilespmem:v5+s11+$0x0], $0xffff  }
0x21d: {  	s25 =	sor.u32 $0x2300, s0;
	v5 =	vld [tilespmem:s31+$0x0]  }
0x21e: {  	v45 =	vld.idx.msk [tilespmem:v8+s11+$0x0], $0xffff;
	s28 =	sor.u32 s20, s25  }
0x21f: {  	v8 =	vld [tilespmem:s28+$0x0];
	s28 =	sor.u32 $0x4000, s0  }
0x220: {  	s30 =	sor.u32 s20, s28;
	v40 =	vld.idx.msk [tilespmem:v3+s11+$0x0], $0xffff  }
0x221: {  	v3 =	vld [tilespmem:s30+$0x0];
	s30 =	sor.u32 $0x4100, s0  }
0x222: {  	s7 =	sor.u32 s20, s30;
	v36 =	vld.idx.msk [tilespmem:v7+s11+$0x0], $0xffff  }
0x223: {  	v7 =	vld [tilespmem:s7+$0x0]  }
0x224: {  	v9 =	vld [tilespmem:s1+$0x180]  }
0x225: {  	v0 =	vld.idx.msk [tilespmem:v5+s11+$0x0], $0xffff  }
0x226: {  	v13 =	vld.idx.msk [tilespmem:v2+s11+$0x0], $0xffff;
	s0 =	sor.u32 $0x4180, s0  }
0x227: {  	v17 =	vadd.f32 $0.0e+00, v17;
	s31 =	sor.u32 s20, s0;
	v35 =	vld.idx.msk [tilespmem:v8+s11+$0x0], $0xffff  }
0x228: {  	v8 =	vld [tilespmem:s31+$0x0]  }
0x229: {  	v17 =	vadd.f32 v19, v17;
	v24 =	vld.idx.msk [tilespmem:v1+s11+$0x0], $0xffff  }
0x22a: {  	v20 =	vld.idx.msk [tilespmem:v3+s11+$0x0], $0xffff;
	[tilespmem:$0x1FE80] =	vst v0  }
0x22b: {  	v17 =	vadd.f32 v61, v17;
	v0 =	vld.idx.msk [tilespmem:v7+s11+$0x0], $0xffff;
	_ =	sdelay $0x1  }
0x22c: {  	v17 =	vadd.f32 v58, v17;
	_ =	sdelay $0x1  }
0x22d: {  	v17 =	vadd.f32 v57, v17  }
0x22e: {  	v14 =	vld.idx.msk [tilespmem:v4+s11+$0x0], $0xffff;
	[tilespmem:$0x1FE90] =	vst v0  }
0x22f: {  	v17 =	vadd.f32 v56, v17;
	v0 =	vld.idx.msk [tilespmem:v8+s11+$0x0], $0xffff;
	_ =	sdelay $0x1  }
0x230: {  	v61 =	vld [tilespmem:$0x1FE10];
	v17 =	vadd.f32 v53, v17  }
0x231: {  	v57 =	vld [tilespmem:$0x1FE40]  }
0x232: {  	v17 =	vadd.f32 v48, v17;
	v48 =	vld [tilespmem:$0x1FE70]  }
0x233: {  	v5 =	vld [tilespmem:s1+$0x200];
	[tilespmem:$0x1FEA0] =	vst v0  }
0x234: {  	v7 =	vld [tilespmem:s1+$0x280]  }
0x235: {  	v8 =	vld [tilespmem:s1+$0x300]  }
0x236: {  	s4 =	sor.u32 s24, s4;
	v11 =	vld [tilespmem:s1+$0x380]  }
0x237: {  	s6 =	sor.u32 s24, s5;
	v12 =	vld [tilespmem:s4+$0x0]  }
0x238: {  	v37 =	vld [tilespmem:s6+$0x0]  }
0x239: {  	v10 =	vld.idx.msk [tilespmem:v6+s11+$0x0], $0xffff  }
0x23a: {  	s7 =	sor.u32 s24, s2;
	v15 =	vld.idx.msk [tilespmem:v9+s11+$0x0], $0xffff  }
0x23b: {  	s13 =	sor.u32 s24, s13;
	v9 =	vld [tilespmem:s7+$0x0]  }
0x23c: {  	s22 =	sor.u32 s24, s22;
	v59 =	vld [tilespmem:s13+$0x0]  }
0x23d: {  	s23 =	sor.u32 s24, s23;
	v50 =	vld [tilespmem:s22+$0x0]  }
0x23e: {  	s31 =	sor.u32 s24, s25;
	v43 =	vld [tilespmem:s23+$0x0]  }
0x23f: {  	s4 =	sor.u32 s24, s26;
	v44 =	vld [tilespmem:s31+$0x0];
	s6 =	sor.u32 s16, s21;
	s21 =	simm.s32 $0x40  }
0x240: {  	s16 =	simm.s32 $0x200;
	v0 =	vld [tilespmem:s4+$0x0];
	s23 =	sand.u32 $0x60, s21  }
0x241: {  	v1 =	vld [tilespmem:s6+$0x0];
	s4 =	sand.u32 $0x1C00, s16;
	s22 =	sor.u32 $0x10, s23  }
0x242: {  	v16 =	vld.idx.msk [tilespmem:v5+s11+$0x0], $0xffff;
	s25 =	sor.u32 s22, s4  }
0x243: {  	v2 =	vld [tilespmem:s25+$0x0]  }
0x244: {  	v3 =	vld [tilespmem:s25+$0x80]  }
0x245: {  	v31 =	vadd.f32 $0.0e+00, v31;
	v4 =	vld [tilespmem:s25+$0x100]  }
0x246: {  	v5 =	vld [tilespmem:s25+$0x180]  }
0x247: {  	v27 =	vadd.f32 v27, v31;
	v31 =	vld [tilespmem:s25+$0x200]  }
0x248: {  	v6 =	vld [tilespmem:s25+$0x280]  }
0x249: {  	v7 =	vld.idx.msk [tilespmem:v7+s11+$0x0], $0xffff  }
0x24a: {  	v8 =	vld.idx.msk [tilespmem:v8+s11+$0x0], $0xffff  }
0x24b: {  	v11 =	vld.idx.msk [tilespmem:v11+s11+$0x0], $0xffff  }
0x24c: {  	v18 =	vld.idx.msk [tilespmem:v12+s11+$0x0], $0xffff  }
0x24d: {  	s5 =	sor.u32 s24, s28;
	v63 =	vld.idx.msk [tilespmem:v37+s11+$0x0], $0xffff  }
0x24e: {  	v37 =	vld [tilespmem:s5+$0x0]  }
0x24f: {  	v9 =	vld.idx.msk [tilespmem:v9+s11+$0x0], $0xffff  }
0x250: {  	v12 =	vld.idx.msk [tilespmem:v59+s11+$0x0], $0xffff  }
0x251: {  	v62 =	vld.idx.msk [tilespmem:v50+s11+$0x0], $0xffff  }
0x252: {  	v59 =	vld.idx.msk [tilespmem:v43+s11+$0x0], $0xffff  }
0x253: {  	v50 =	vld.idx.msk [tilespmem:v44+s11+$0x0], $0xffff  }
0x254: {  	v44 =	vld.idx.msk [tilespmem:v0+s11+$0x0], $0xffff  }
0x255: {  	s7 =	sor.u32 s24, s29;
	v43 =	vld.idx.msk [tilespmem:v1+s11+$0x0], $0xffff  }
0x256: {  	v13 =	vadd.f32 $0.0e+00, v13;
	s13 =	sor.u32 s24, s30;
	s5 =	sor.u32 $0x2000, s4;
	v0 =	vld [tilespmem:s7+$0x0]  }
0x257: {  	v1 =	vld [tilespmem:s13+$0x0];
	s26 =	sor.u32 s22, s5;
	s5 =	sor.u32 s23, s5  }
0x258: {  	v13 =	vadd.f32 v14, v13;
	v56 =	vld [tilespmem:s5+$0x0]  }
0x259: {  	v2 =	vld.idx.msk [tilespmem:v2+s11+$0x0], $0xffff  }
0x25a: {  	v10 =	vadd.f32 v10, v13;
	v3 =	vld.idx.msk [tilespmem:v3+s11+$0x0], $0xffff  }
0x25b: {  	v4 =	vld.idx.msk [tilespmem:v4+s11+$0x0], $0xffff  }
0x25c: {  	v10 =	vadd.f32 v15, v10;
	v5 =	vld.idx.msk [tilespmem:v5+s11+$0x0], $0xffff  }
0x25d: {  	v6 =	vld.idx.msk [tilespmem:v6+s11+$0x0], $0xffff  }
0x25e: {  	v10 =	vadd.f32 v16, v10;
	v37 =	vld.idx.msk [tilespmem:v37+s11+$0x0], $0xffff  }
0x25f: {  	v25 =	vadd.f32 v25, v27;
	v27 =	vld.idx.msk [tilespmem:v0+s11+$0x0], $0xffff  }
0x260: {  	v7 =	vadd.f32 v7, v10;
	v1 =	vld.idx.msk [tilespmem:v1+s11+$0x0], $0xffff  }
0x261: {  	v60 =	vadd.f32 $0.0e+00, v60;
	v0 =	vadd.f32 v26, v25;
	v25 =	vld.idx.msk [tilespmem:v31+s11+$0x0], $0xffff  }
0x262: {  	s1 =	sor.u32 $0x2080, s4;
	v7 =	vadd.f32 v8, v7;
	v26 =	vld [tilespmem:s25+$0x300]  }
0x263: {  	s28 =	sor.u32 s22, s1;
	s1 =	sor.u32 s23, s1;
	v31 =	vadd.f32 v55, v60;
	v60 =	vld [tilespmem:$0x1FD70];
	v0 =	vadd.f32 v28, v0  }
0x264: {  	v7 =	vadd.f32 v11, v7;
	v11 =	vld [tilespmem:s1+$0x0]  }
0x265: {  	v28 =	vld [tilespmem:s25+$0x380];
	s25 =	sor.u32 $0x2280, s4;
	v31 =	vadd.f32 v51, v31;
	v0 =	vadd.f32 v32, v0  }
0x266: {  	s30 =	sor.u32 $0x2180, s4;
	v32 =	vld [tilespmem:s28+$0x0];
	s28 =	sor.u32 s22, s25  }
0x267: {  	s31 =	sor.u32 s22, s30;
	v31 =	vadd.f32 v47, v31;
	v51 =	vld [tilespmem:s28+$0x0];
	v0 =	vadd.f32 v34, v0  }
0x268: {  	v34 =	vld [tilespmem:s31+$0x0]  }
0x269: {  	v31 =	vadd.f32 v52, v31;
	v52 =	vld [tilespmem:$0x1FDA0];
	v0 =	vadd.f32 v29, v0  }
0x26a: {  	v7 =	vadd.f32 v18, v7;
	v29 =	vld [tilespmem:s26+$0x0]  }
0x26b: {  	v26 =	vld.idx.msk [tilespmem:v26+s11+$0x0], $0xffff;
	v0 =	vadd.f32 v22, v0  }
0x26c: {  	s13 =	sor.u32 $0x2100, s4;
	v7 =	vadd.f32 v63, v7;
	v31 =	vadd.f32 v54, v31;
	v54 =	vld [tilespmem:$0x1FDB0]  }
0x26d: {  	s29 =	sor.u32 s22, s13;
	s26 =	sor.u32 $0x2200, s4;
	v0 =	vadd.f32 v60, v0;
	v60 =	vld [tilespmem:$0x1FD80]  }
0x26e: {  	v7 =	vadd.f32 v9, v7;
	s7 =	sor.u32 s22, s26;
	v22 =	vld [tilespmem:s29+$0x0]  }
0x26f: {  	v55 =	vld [tilespmem:s7+$0x0]  }
0x270: {  	v7 =	vadd.f32 v12, v7;
	v28 =	vld.idx.msk [tilespmem:v28+s11+$0x0], $0xffff  }
0x271: {  	s31 =	sor.u32 $0x2300, s4;
	v31 =	vadd.f32 v49, v31;
	v32 =	vld.idx.msk [tilespmem:v32+s11+$0x0], $0xffff  }
0x272: {  	s2 =	sor.u32 $0x2380, s4;
	s29 =	sor.u32 s22, s31;
	v7 =	vadd.f32 v62, v7;
	v0 =	vadd.f32 v60, v0;
	v60 =	vld [tilespmem:$0x1FD90]  }
0x273: {  	s7 =	sor.u32 s22, s2;
	s2 =	sor.u32 s23, s2;
	v31 =	vadd.f32 v41, v31;
	v41 =	vld [tilespmem:s29+$0x0]  }
0x274: {  	v7 =	vadd.f32 v59, v7;
	v59 =	vld [tilespmem:s2+$0x0]  }
0x275: {  	v49 =	vld.idx.msk [tilespmem:v51+s11+$0x0], $0xffff  }
0x276: {  	v34 =	vld.idx.msk [tilespmem:v34+s11+$0x0], $0xffff  }
0x277: {  	v47 =	vld.idx.msk [tilespmem:v55+s11+$0x0], $0xffff;
	v0 =	vadd.f32 v60, v0  }
0x278: {  	v55 =	vld [tilespmem:$0x1FDC0]  }
0x279: {  	v29 =	vld.idx.msk [tilespmem:v29+s11+$0x0], $0xffff;
	v0 =	vadd.f32 v52, v0  }
0x27a: {  	v60 =	vld [tilespmem:$0x1FDD0]  }
0x27b: {  	v22 =	vld.idx.msk [tilespmem:v22+s11+$0x0], $0xffff;
	v0 =	vadd.f32 v54, v0  }
0x27c: {  	v2 =	vadd.f32 $0.0e+00, v2;
	v13 =	vld.idx.msk [tilespmem:v41+s11+$0x0], $0xffff  }
0x27d: {  	v41 =	vld [tilespmem:$0x1FE60];
	v51 =	vadd.f32 v55, v0  }
0x27e: {  	v2 =	vadd.f32 v3, v2;
	s28 =	sor.u32 $0x4080, s4;
	v52 =	vld [tilespmem:s7+$0x0]  }
0x27f: {  	s0 =	sor.u32 s24, s0;
	s24 =	sor.u32 $0x4180, s4;
	v31 =	vadd.f32 v38, v31;
	s7 =	sor.u32 s22, s28;
	v51 =	vadd.f32 v60, v51;
	v60 =	vld [tilespmem:$0x1FDE0]  }
0x280: {  	v2 =	vadd.f32 v4, v2;
	v54 =	vld [tilespmem:s7+$0x0];
	s7 =	sor.u32 s22, s24  }
0x281: {  	v30 =	vadd.f32 v30, v31;
	v19 =	vld [tilespmem:s7+$0x0]  }
0x282: {  	v2 =	vadd.f32 v5, v2;
	s29 =	sor.u32 $0x4100, s4;
	v0 =	vld [tilespmem:s0+$0x0];
	s0 =	sor.u32 $0x4000, s4;
	s4 =	sor.u32 s23, s4  }
0x283: {  	v21 =	vadd.f32 v21, v30;
	v30 =	vld [tilespmem:s4+$0x0]  }
0x284: {  	v2 =	vadd.f32 v25, v2;
	v51 =	vadd.f32 v60, v51;
	v60 =	vld [tilespmem:$0x1FDF0]  }
0x285: {  	v55 =	vld [tilespmem:s4+$0x80]  }
0x286: {  	v2 =	vadd.f32 v6, v2;
	v21 =	vadd.f32 v33, v21;
	v3 =	vld [tilespmem:s4+$0x100]  }
0x287: {  	v4 =	vld [tilespmem:s4+$0x200]  }
0x288: {  	v2 =	vadd.f32 v26, v2;
	v21 =	vadd.f32 v23, v21;
	v23 =	vld [tilespmem:s4+$0x280]  }
0x289: {  	v51 =	vadd.f32 v60, v51;
	v60 =	vld [tilespmem:$0x1FE00]  }
0x28a: {  	v2 =	vadd.f32 v28, v2;
	v5 =	vld [tilespmem:s4+$0x300]  }
0x28b: {  	s6 =	sor.u32 s22, s0;
	v14 =	vld [tilespmem:s4+$0x380]  }
0x28c: {  	v2 =	vadd.f32 v29, v2;
	v38 =	vld [tilespmem:s6+$0x0];
	s6 =	sor.u32 s22, s29  }
0x28d: {  	v31 =	vld [tilespmem:s6+$0x0]  }
0x28e: {  	s13 =	sor.u32 s23, s13;
	v2 =	vadd.f32 v32, v2;
	v6 =	vld.idx.msk [tilespmem:v52+s11+$0x0], $0xffff;
	v51 =	vadd.f32 v60, v51  }
0x28f: {  	v52 =	vld [tilespmem:s13+$0x0]  }
0x290: {  	v2 =	vadd.f32 v22, v2;
	v33 =	vadd.f32 v61, v51;
	v51 =	vld [tilespmem:s4+$0x180]  }
0x291: {  	v19 =	vld.idx.msk [tilespmem:v19+s11+$0x0], $0xffff  }
0x292: {  	v2 =	vadd.f32 v34, v2;
	v58 =	vld.idx.msk [tilespmem:v30+s11+$0x0], $0xffff  }
0x293: {  	v17 =	vadd.f32 v46, v17;
	v46 =	vld.idx.msk [tilespmem:v55+s11+$0x0], $0xffff  }
0x294: {  	v2 =	vadd.f32 v47, v2;
	v3 =	vld.idx.msk [tilespmem:v3+s11+$0x0], $0xffff  }
0x295: {  	v4 =	vld.idx.msk [tilespmem:v4+s11+$0x0], $0xffff  }
0x296: {  	v2 =	vadd.f32 v49, v2;
	v5 =	vld.idx.msk [tilespmem:v5+s11+$0x0], $0xffff  }
0x297: {  	v9 =	vld.idx.msk [tilespmem:v14+s11+$0x0], $0xffff;
	v8 =	vadd.f32 $0.0e+00, v58  }
0x298: {  	v17 =	vadd.f32 v45, v17;
	v2 =	vadd.f32 v13, v2;
	v51 =	vld.idx.msk [tilespmem:v51+s11+$0x0], $0xffff  }
0x299: {  	v8 =	vadd.f32 v46, v8;
	v60 =	vld [tilespmem:$0x1FE20]  }
0x29a: {  	v17 =	vadd.f32 v42, v17;
	v2 =	vadd.f32 v6, v2;
	v6 =	vld [tilespmem:$0x1FE80]  }
0x29b: {  	v3 =	vadd.f32 v3, v8;
	v61 =	vld [tilespmem:$0x1FE30]  }
0x29c: {  	v17 =	vadd.f32 v40, v17;
	v8 =	vld.idx.msk [tilespmem:v23+s11+$0x0], $0xffff  }
0x29d: {  	v10 =	vld.idx.msk [tilespmem:v31+s11+$0x0], $0xffff;
	v3 =	vadd.f32 v51, v3  }
0x29e: {  	v17 =	vadd.f32 v39, v17;
	v58 =	vld [tilespmem:$0x1FE90];
	v21 =	vadd.f32 v60, v21  }
0x29f: {  	v60 =	vld [tilespmem:$0x1FE50];
	v3 =	vadd.f32 v4, v3  }
0x2a0: {  	v17 =	vadd.f32 v36, v17;
	v21 =	vadd.f32 v61, v21;
	v61 =	vld.idx.msk [tilespmem:v38+s11+$0x0], $0xffff  }
0x2a1: {  	v38 =	vld.idx.msk [tilespmem:v54+s11+$0x0], $0xffff;
	v3 =	vadd.f32 v8, v3  }
0x2a2: {  	s4 =	sor.u32 s23, s30;
	v54 =	vadd.f32 v35, v17;
	v4 =	vld.idx.msk [tilespmem:v56+s11+$0x0], $0xffff  }
0x2a3: {  	s5 =	sor.u32 s23, s26;
	v53 =	vld [tilespmem:s4+$0x0];
	v3 =	vadd.f32 v5, v3  }
0x2a4: {  	v55 =	vadd.f32 v24, v54;
	v56 =	vld [tilespmem:s5+$0x0]  }
0x2a5: {  	s6 =	sor.u32 s23, s25;
	v21 =	vadd.f32 v57, v21;
	v8 =	vld.idx.msk [tilespmem:v11+s11+$0x0], $0xffff;
	v3 =	vadd.f32 v9, v3  }
0x2a6: {  	v11 =	vadd.f32 v20, v55;
	v5 =	vld [tilespmem:s6+$0x0]  }
0x2a7: {  	v21 =	vadd.f32 v60, v21;
	v3 =	vadd.f32 v4, v3;
	v4 =	vld [tilespmem:$0x1FEA0]  }
0x2a8: {  	s7 =	sor.u32 s23, s31;
	v57 =	vld.idx.msk [tilespmem:v52+s11+$0x0], $0xffff;
	v6 =	vadd.f32 v6, v11  }
0x2a9: {  	s0 =	sor.u32 s23, s0;
	v2 =	vadd.f32 v61, v2;
	v21 =	vadd.f32 v41, v21;
	v9 =	vld [tilespmem:s7+$0x0]  }
0x2aa: {  	v7 =	vadd.f32 v50, v7;
	v60 =	vld [tilespmem:s0+$0x0];
	v6 =	vadd.f32 v58, v6  }
0x2ab: {  	v2 =	vadd.f32 v38, v2;
	v21 =	vadd.f32 v48, v21;
	v11 =	vld.idx.msk [tilespmem:v53+s11+$0x0], $0xffff  }
0x2ac: {  	s13 =	sor.u32 s23, s28;
	v12 =	vld.idx.msk [tilespmem:v56+s11+$0x0], $0xffff;
	v8 =	vadd.f32 v8, v3;
	v4 =	vadd.f32 v4, v6  }
0x2ad: {  	s25 =	sor.u32 s23, s29;
	v6 =	vadd.f32 v44, v7;
	v7 =	vadd.f32 v10, v2;
	v2 =	vld [tilespmem:s13+$0x0]  }
0x2ae: {  	s26 =	sand.u32 $0x380, s17;
	v61 =	vmul.f32 $5.000000070e-02, v33;
	v3 =	vld [tilespmem:s25+$0x0];
	v8 =	vadd.f32 v57, v8;
	v10 =	vadd.f32 v43, v21  }
0x2af: {  	s29 =	sor.u32 s23, s24;
	s28 =	sand.u32 $0x380, s19;
	s0 =	sor.u32 s18, s26;
	v5 =	vld.idx.msk [tilespmem:v5+s11+$0x0], $0xffff;
	v6 =	vadd.f32 v37, v6;
	v7 =	vadd.f32 v19, v7;
	v62 =	vmul.f32 $5.000000070e-02, v4  }
0x2b0: {  	s30 =	sor.u32 s20, s28;
	[tilespmem:s0+$0x1E700] =	vst v61;
	v10 =	vmul.f32 $5.000000070e-02, v10;
	v4 =	vld [tilespmem:s29+$0x0]  }
0x2b1: {  	s31 =	sand.u32 $0x380, s21;
	v11 =	vadd.f32 v11, v8;
	v8 =	vld.idx.msk [tilespmem:v9+s11+$0x0], $0xffff;
	[tilespmem:s30+$0x1E700] =	vst v62;
	v6 =	vadd.f32 v27, v6;
	v63 =	vmul.f32 $5.000000070e-02, v7  }
0x2b2: {  	s0 =	sor.u32 s22, s31;
	[tilespmem:s15+$0x0] =	vst v10;
	v7 =	vld.idx.msk [tilespmem:v59+s11+$0x0], $0xffff  }
0x2b3: {  	s17 =	simm.s32 $0x4;
	s18 =	simm.s32 $0x60;
	v9 =	vadd.f32 v12, v11;
	v1 =	vadd.f32 v1, v6;
	[tilespmem:s0+$0x1E700] =	vst v63;
	v6 =	vld.idx.msk [tilespmem:v60+s11+$0x0], $0xffff  }
.LBB2_4:
0x2b4: {  	s21 =	sand.u32 $0x60, s18;
	s17 =	sadd.s32 $0x2, s17;
	s16 =	sadd.s32 $0x100, s16;
	v10 =	vld.idx.msk [tilespmem:v0+s11+$0x0], $0xffff  }
0x2b5: {  	s22 =	sand.u32 $0x1C00, s16;
	s19 =	sor.u32 $0x10, s21;
	p0 =	slt.u32 s17, $0x3E;
	v5 =	vadd.f32 v5, v9;
	v9 =	vld.idx.msk [tilespmem:v2+s11+$0x0], $0xffff;
	v0 =	vmov v4  }
0x2b6: {  	s20 =	sor.u32 s21, s22;
	s0 =	sor.u32 s19, s22;
	v11 =	vld.idx.msk [tilespmem:v3+s11+$0x0], $0xffff  }
0x2b7: {  	v12 =	vld [tilespmem:s0+$0x0];
	v2 =	vadd.f32 v8, v5  }
0x2b8: {  	v4 =	vld [tilespmem:s20+$0x0]  }
0x2b9: {  	v5 =	vld [tilespmem:s0+$0x80];
	v2 =	vadd.f32 v7, v2  }
0x2ba: {  	v1 =	vadd.f32 v10, v1;
	v3 =	vld [tilespmem:s20+$0x80]  }
0x2bb: {  	v7 =	vld [tilespmem:s0+$0x100];
	v6 =	vadd.f32 v6, v2  }
0x2bc: {  	v1 =	vmul.f32 $5.000000070e-02, v1;
	v2 =	vld [tilespmem:s20+$0x100]  }
0x2bd: {  	s15 =	sadd.s32 $0x20, s15;
	v8 =	vld [tilespmem:s0+$0x180];
	v6 =	vadd.f32 v9, v6  }
0x2be: {  	v9 =	vld [tilespmem:s0+$0x200];
	[tilespmem:s15+$0x0] =	vst v1  }
0x2bf: {  	v10 =	vld.idx.msk [tilespmem:v12+s11+$0x0], $0xffff;
	v1 =	vadd.f32 v11, v6  }
0x2c0: {  	v6 =	vld [tilespmem:s0+$0x280]  }
0x2c1: {  	v5 =	vld.idx.msk [tilespmem:v5+s11+$0x0], $0xffff  }
0x2c2: {  	v11 =	vld [tilespmem:s0+$0x300]  }
0x2c3: {  	v7 =	vld.idx.msk [tilespmem:v7+s11+$0x0], $0xffff  }
0x2c4: {  	s1 =	sor.u32 $0x2000, s22;
	v12 =	vld [tilespmem:s0+$0x380]  }
0x2c5: {  	s23 =	sor.u32 s21, s1;
	v10 =	vadd.f32 $0.0e+00, v10;
	s0 =	sor.u32 s19, s1;
	v8 =	vld.idx.msk [tilespmem:v8+s11+$0x0], $0xffff  }
0x2c6: {  	s1 =	sor.u32 $0x2080, s22;
	v13 =	vld [tilespmem:s0+$0x0]  }
0x2c7: {  	s0 =	sor.u32 s21, s1;
	v5 =	vadd.f32 v5, v10;
	s1 =	sor.u32 s19, s1;
	v9 =	vld.idx.msk [tilespmem:v9+s11+$0x0], $0xffff  }
0x2c8: {  	s2 =	sor.u32 $0x2100, s22;
	v10 =	vld [tilespmem:s1+$0x0]  }
0x2c9: {  	s1 =	sor.u32 s21, s2;
	v5 =	vadd.f32 v7, v5;
	s2 =	sor.u32 s19, s2;
	v6 =	vld.idx.msk [tilespmem:v6+s11+$0x0], $0xffff  }
0x2ca: {  	s4 =	sor.u32 $0x2180, s22;
	v7 =	vld [tilespmem:s2+$0x0]  }
0x2cb: {  	s24 =	sor.u32 s21, s4;
	v5 =	vadd.f32 v8, v5;
	s2 =	sor.u32 s19, s4;
	v8 =	vld.idx.msk [tilespmem:v11+s11+$0x0], $0xffff  }
0x2cc: {  	s4 =	sor.u32 $0x2200, s22;
	v11 =	vld [tilespmem:s2+$0x0]  }
0x2cd: {  	s2 =	sor.u32 s21, s4;
	v5 =	vadd.f32 v9, v5;
	s4 =	sor.u32 s19, s4;
	v9 =	vld.idx.msk [tilespmem:v12+s11+$0x0], $0xffff  }
0x2ce: {  	s5 =	sor.u32 $0x2280, s22;
	v12 =	vld [tilespmem:s4+$0x0]  }
0x2cf: {  	s13 =	sor.u32 s21, s5;
	v5 =	vadd.f32 v6, v5;
	s4 =	sor.u32 s19, s5;
	v6 =	vld.idx.msk [tilespmem:v13+s11+$0x0], $0xffff  }
0x2d0: {  	s5 =	sor.u32 $0x2300, s22;
	v13 =	vld [tilespmem:s4+$0x0]  }
0x2d1: {  	s25 =	sor.u32 s21, s5;
	v5 =	vadd.f32 v8, v5;
	s4 =	sor.u32 s19, s5;
	v8 =	vld.idx.msk [tilespmem:v10+s11+$0x0], $0xffff  }
0x2d2: {  	s5 =	sor.u32 $0x2380, s22;
	v10 =	vld [tilespmem:s4+$0x0]  }
0x2d3: {  	s26 =	sor.u32 s21, s5;
	v5 =	vadd.f32 v9, v5;
	s4 =	sor.u32 s19, s5;
	v7 =	vld.idx.msk [tilespmem:v7+s11+$0x0], $0xffff  }
0x2d4: {  	s5 =	sor.u32 $0x4000, s22;
	v9 =	vld [tilespmem:s4+$0x0]  }
0x2d5: {  	s28 =	sor.u32 s21, s5;
	v5 =	vadd.f32 v6, v5;
	s4 =	sor.u32 s19, s5;
	v6 =	vld.idx.msk [tilespmem:v11+s11+$0x0], $0xffff  }
0x2d6: {  	s5 =	sor.u32 $0x4080, s22;
	v11 =	vld [tilespmem:s4+$0x0]  }
0x2d7: {  	s29 =	sor.u32 s21, s5;
	v5 =	vadd.f32 v8, v5;
	s4 =	sor.u32 s19, s5;
	v8 =	vld.idx.msk [tilespmem:v12+s11+$0x0], $0xffff  }
0x2d8: {  	s5 =	sor.u32 $0x4100, s22;
	v12 =	vld [tilespmem:s4+$0x0]  }
0x2d9: {  	s30 =	sor.u32 s21, s5;
	v5 =	vadd.f32 v7, v5;
	s4 =	sor.u32 s19, s5;
	v7 =	vld.idx.msk [tilespmem:v13+s11+$0x0], $0xffff  }
0x2da: {  	s5 =	sor.u32 $0x4180, s22;
	v13 =	vld [tilespmem:s4+$0x0]  }
0x2db: {  	s21 =	sor.u32 s21, s5;
	v5 =	vadd.f32 v6, v5;
	s4 =	sor.u32 s19, s5;
	v6 =	vld.idx.msk [tilespmem:v10+s11+$0x0], $0xffff  }
0x2dc: {  	v10 =	vld [tilespmem:s4+$0x0]  }
0x2dd: {  	v5 =	vadd.f32 v8, v5;
	v8 =	vld.idx.msk [tilespmem:v9+s11+$0x0], $0xffff  }
0x2de: {  	v4 =	vld.idx.msk [tilespmem:v4+s11+$0x0], $0xffff  }
0x2df: {  	v5 =	vadd.f32 v7, v5;
	v7 =	vld.idx.msk [tilespmem:v11+s11+$0x0], $0xffff  }
0x2e0: {  	v9 =	vld [tilespmem:s20+$0x180]  }
0x2e1: {  	v5 =	vadd.f32 v6, v5;
	v6 =	vld.idx.msk [tilespmem:v12+s11+$0x0], $0xffff  }
0x2e2: {  	v3 =	vld.idx.msk [tilespmem:v3+s11+$0x0], $0xffff  }
0x2e3: {  	v5 =	vadd.f32 v8, v5;
	v8 =	vld.idx.msk [tilespmem:v13+s11+$0x0], $0xffff  }
0x2e4: {  	v4 =	vadd.f32 $0.0e+00, v4;
	v11 =	vld [tilespmem:s20+$0x200]  }
0x2e5: {  	v5 =	vadd.f32 v7, v5;
	v7 =	vld.idx.msk [tilespmem:v10+s11+$0x0], $0xffff  }
0x2e6: {  	v2 =	vld.idx.msk [tilespmem:v2+s11+$0x0], $0xffff  }
0x2e7: {  	v5 =	vadd.f32 v6, v5;
	v10 =	vld [tilespmem:s20+$0x280]  }
0x2e8: {  	v3 =	vadd.f32 v3, v4;
	v4 =	vld.idx.msk [tilespmem:v9+s11+$0x0], $0xffff  }
0x2e9: {  	v5 =	vadd.f32 v8, v5;
	v6 =	vld [tilespmem:s20+$0x300]  }
0x2ea: {  	v8 =	vld [tilespmem:s20+$0x380]  }
0x2eb: {  	v5 =	vadd.f32 v7, v5;
	v9 =	vld [tilespmem:s23+$0x0]  }
0x2ec: {  	v2 =	vadd.f32 v2, v3;
	v3 =	vld.idx.msk [tilespmem:v11+s11+$0x0], $0xffff  }
0x2ed: {  	v5 =	vmul.f32 $5.000000070e-02, v5;
	v7 =	vld [tilespmem:s0+$0x0];
	s0 =	sand.u32 $0x380, s18  }
0x2ee: {  	v2 =	vadd.f32 v4, v2;
	v4 =	vld [tilespmem:s1+$0x0];
	s0 =	sor.u32 s19, s0  }
0x2ef: {  	v10 =	vld.idx.msk [tilespmem:v10+s11+$0x0], $0xffff;
	[tilespmem:s0+$0x1E700] =	vst v5  }
0x2f0: {  	v5 =	vld [tilespmem:s24+$0x0]  }
0x2f1: {  	v6 =	vld.idx.msk [tilespmem:v6+s11+$0x0], $0xffff  }
0x2f2: {  	v2 =	vadd.f32 v3, v2;
	v3 =	vld.idx.msk [tilespmem:v8+s11+$0x0], $0xffff  }
0x2f3: {  	v8 =	vld.idx.msk [tilespmem:v9+s11+$0x0], $0xffff  }
0x2f4: {  	v9 =	vld [tilespmem:s2+$0x0]  }
0x2f5: {  	v2 =	vadd.f32 v10, v2;
	v7 =	vld.idx.msk [tilespmem:v7+s11+$0x0], $0xffff  }
0x2f6: {  	v4 =	vld.idx.msk [tilespmem:v4+s11+$0x0], $0xffff  }
0x2f7: {  	v2 =	vadd.f32 v6, v2;
	v6 =	vld [tilespmem:s13+$0x0]  }
0x2f8: {  	v10 =	vld.idx.msk [tilespmem:v5+s11+$0x0], $0xffff  }
0x2f9: {  	v2 =	vadd.f32 v3, v2;
	v11 =	vld [tilespmem:s25+$0x0]  }
0x2fa: {  	v12 =	vld [tilespmem:s26+$0x0]  }
0x2fb: {  	v2 =	vadd.f32 v8, v2;
	v13 =	vld [tilespmem:s28+$0x0]  }
0x2fc: {  	v9 =	vld.idx.msk [tilespmem:v9+s11+$0x0], $0xffff  }
0x2fd: {  	v5 =	vadd.f32 v7, v2;
	v2 =	vld [tilespmem:s29+$0x0]  }
0x2fe: {  	v3 =	vld [tilespmem:s30+$0x0]  }
.Ltmp1:
0x2ff: {  	v7 =	vadd.f32 v4, v5;
	v5 =	vld.idx.msk [tilespmem:v6+s11+$0x0], $0xffff;
	(pc) =	sbr.rel @p0 .LBB2_4-.Ltmp1, $4  }
0x300: {  	v4 =	vld [tilespmem:s21+$0x0]  }
0x301: {  	v6 =	vadd.f32 v10, v7;
	v8 =	vld.idx.msk [tilespmem:v11+s11+$0x0], $0xffff  }
0x302: {  	v7 =	vld.idx.msk [tilespmem:v12+s11+$0x0], $0xffff  }
0x303: {  	s18 =	sadd.s32 $0x20, s18;
	v9 =	vadd.f32 v9, v6;
	v6 =	vld.idx.msk [tilespmem:v13+s11+$0x0], $0xffff  }
0x304: {  	_ = 	snop  }
0x305: {  	v5 =	vadd.f32 v5, v9;
	_ =	sdelay $0x1  }
0x306: {  	v5 =	vadd.f32 v8, v5  }
0x307: {  	v2 =	vld.idx.msk [tilespmem:v2+s11+$0x0], $0xffff  }
0x308: {  	v5 =	vadd.f32 v7, v5  }
0x309: {  	v3 =	vld.idx.msk [tilespmem:v3+s11+$0x0], $0xffff  }
0x30a: {  	v0 =	vld.idx.msk [tilespmem:v0+s11+$0x0], $0xffff;
	v5 =	vadd.f32 v6, v5  }
0x30b: {  	v4 =	vld.idx.msk [tilespmem:v4+s11+$0x0], $0xffff  }
0x30c: {  	v2 =	vadd.f32 v2, v5;
	_ =	sdelay $0x1  }
0x30d: {  	v2 =	vadd.f32 v3, v2  }
0x30e: {  	v0 =	vadd.f32 v0, v1  }
0x30f: {  	v63 =	vadd.f32 v4, v2  }
0x310: {  	v0 =	vmul.f32 $5.000000070e-02, v0  }
0x311: {  	s0 =	sadd.s32 $0x20, s15;
	v1 =	vmul.f32 $5.000000070e-02, v63  }
0x312: {  	s14 =	sadd.s32 $0x1, s14;
	[tilespmem:s0+$0x0] =	vst v0;
	s0 =	sadd.s32 $0x20, s0  }
0x313: {  	p0 =	sne.s32 s14, s8;
	[tilespmem:s0+$0x0] =	vst v1  }
.Ltmp2:
0x314: {  	s7 =	simm.s32 $0x1E700;
	s0 =	rddreg [dreg:$0x7];
	(pc) =	sbr.rel @p0 .LBB2_1-.Ltmp2, $4  }
0x315: {  	[hbm4b:s0+s9] =	stream.strided.scatter [tilespmem:s7], [sflag:$0x1], $0x400, s10, s9, $0x38;
	[tilespmem:$0x1EB00] =	vst v63  }
0x316: {  	_ =	swait.ge [sflag:s12], $0x400  }
0x317: {  	[sflag:s12] =	ssyncset.done $0x0  }
0x318: {  	[sflag:s12] =	ssyncadd.s32 $0xFFFFFC00  }
0x319: {  	_ =	sfence.sel $0x180000  }
0x31a: {  	[bflag:$0x0] =	sbarrier.arrive $0xFFFF  }
0x31b: {  	_ =	strace $0x90000047  }
0x31c: {  	s0 =	stileid.u32;
	[bflag:$0x2] =	sbarrier.arrive $0xFFFF  }
0x31d: {  	p0 =	sne.s32 s0, $0x0;
	s0 =	rddreg [dreg:$0x3]  }
0x31e: {  	s0 =	sadd.s32 @!p0 $0x100000, s0  }
0x31f: {  	[sflag:s0] =	ssyncadd.tile.s32 @!p0 $0x1;
	_ =	shalt  }
.Lfunc_end2:
_tile_overlayer_lowered:
.L_overlay_start_2:
0x320: {  	(tag) =	ssettag $0x2  }
0x321: {  	s0 =	rddreg [dreg:$0x0];
	s2 =	stileid.u32  }
0x322: {  	s1 =	rddreg [dreg:$0x1];
	p0 =	sne.s32 s2, $0x0  }
0x323: {  	s3 =	rddreg [dreg:$0x2];
	[bflag:$0x3] =	sbarrier.arrive $0xFFFF;
	s2 =	simm.s32 @!p0 $0x1C02  }
0x324: {  	[timem:s3], [sflag:s2] =	dma.local @!p0 [hbm:s0], s1  }
0x325: {  	s0 =	simm.s32 @!p0 $0x2  }
0x326: {  	_ =	swait.ge @!p0 [sflag:s0], s1  }
0x327: {  	s1 =	ssub.s32 @!p0 $0x0, s1;
	[sflag:s0] =	ssyncset.done @!p0 $0x0  }
0x328: {  	[sflag:s0] =	ssyncadd.s32 @!p0 s1  }
0x329: {  	[bflag:$0x3] =	sbarrier.arrive $0xFFFF  }
0x32a: {  	_ =	shalt  }

</sc_bundles>
